<compile_context>
chip_gen: v7x
topology: tpu7x:2x2x1
jax: 0.10.2.dev20260603
libtpu: 0.0.44.dev20260713+nightly
codegen_flags: <defaults>
</compile_context>

<pallas_src>
import functools

import jax
import jax.numpy as jnp
from jax import lax
from jax.experimental import pallas as pl
from jax.experimental.pallas import tpu as pltpu
from jax.experimental.pallas import tpu_sc as plsc

NC = 2
NS = 16
NW = NC * NS

D = 2048
K = 8
NB = 3


@functools.partial(jax.jit, static_argnums=(2, 3))
def _emb_lookup(idx, table, b_per_w, nchunk):
    mesh = plsc.VectorSubcoreMesh(
        core_axis_name="c", subcore_axis_name="s",
        num_cores=NC, num_subcores=NS,
    )
    B = NW * b_per_w

    @functools.partial(
        pl.kernel,
        out_type=jax.ShapeDtypeStruct((B, D), jnp.float32),
        mesh=mesh,
        scratch_types=[
            pltpu.VMEM((b_per_w,), jnp.int32),
            [pltpu.VMEM((K, D), jnp.float32)] * NB,
            pltpu.VMEM_SHARED((NS, NB, K, D), jnp.float32),
            [pltpu.SemaphoreType.DMA] * NB,
            [pltpu.SemaphoreType.DMA] * NB,
            [pltpu.SemaphoreType.DMA] * NB,
        ],
    )
    def body(idx_hbm, table_hbm, out_hbm, idx_v, bufs, sbuf, sin, smid, sout):
        wid = lax.axis_index("s") * NC + lax.axis_index("c")
        sid = lax.axis_index("s")
        base = wid * b_per_w
        pltpu.sync_copy(idx_hbm.at[pl.ds(base, b_per_w)], idx_v)

        def gather(c, b):
            pltpu.async_copy(
                table_hbm.at[idx_v.at[pl.ds(c * K, K)]], bufs[b], sin[b])

        def gather_wait(b):
            pltpu.make_async_copy(
                table_hbm.at[idx_v.at[pl.ds(0, K)]], bufs[b], sin[b]).wait()

        def mid(b):
            pltpu.async_copy(bufs[b], sbuf.at[sid, b], smid[b])

        def mid_wait(b):
            pltpu.make_async_copy(bufs[b], sbuf.at[sid, b], smid[b]).wait()

        def out(c, b):
            pltpu.async_copy(
                sbuf.at[sid, b], out_hbm.at[pl.ds(base + c * K, K)], sout[b])

        def out_wait(b):
            pltpu.make_async_copy(
                sbuf.at[sid, b], out_hbm.at[pl.ds(base, K)], sout[b]).wait()

        def step(c, b, wait_out, do_prev, issue_in):
            gather_wait(b)
            if wait_out:
                out_wait(b)
            mid(b)
            if do_prev:
                pb = (b + NB - 1) % NB
                mid_wait(pb)
                out(c - 1, pb)
                if issue_in:
                    gather(c + 2, pb)

        gather(0, 0)
        gather(1, 1)
        step(0, 0, False, False, False)
        gather(2, 2)
        step(1, 1, False, True, True)
        step(2, 2, False, True, True)

        nfull = (nchunk - 4 - 3) // NB + 1

        @pl.loop(1, nfull)
        def ring(r):
            for b in range(NB):
                step(NB * r + b, b, True, True, True)

        for c in range(NB * nfull, nchunk):
            step(c, c % NB, True, True, c + 2 < nchunk)
        last = (nchunk - 1) % NB
        mid_wait(last)
        out(nchunk - 1, last)
        out_wait((nchunk - 3) % NB)
        out_wait((nchunk - 2) % NB)
        out_wait(last)

    return body(idx, table)


def kernel(x, W):
    B = x.size
    b_per_w = B // NW
    nchunk = b_per_w // K
    out = _emb_lookup(x.reshape(-1), W, b_per_w, nchunk)
    return out.reshape(x.shape + (W.shape[1],))

# --- scband reference (transcript-rebuilt; emitter-appended) ---
"""Pipeline reference for scband-llama-embeddings-layer-41351945126176 (READ-ONLY COPY).

The authoritative reference and input builder live on the scoring server;
editing this copy changes nothing except your own understanding.
"""

import jax, jax.numpy as jnp
import numpy as np

VOCAB = 100000
HIDDEN = 2048
PAD_TOKEN_ID = 0

def setup_inputs(seed: int = 0) -> dict:
    key = jax.random.key(seed)
    k_idx, k_w = jax.random.split(key)
    x = jax.random.randint(k_idx, (4, 4096), 0, VOCAB, dtype=jnp.int64 if jax.config.jax_enable_x64 else jnp.int32).astype(jnp.int32)
    W = jax.random.normal(k_w, (VOCAB, HIDDEN), dtype=jnp.float32) * 0.02
    # nn.Embedding with padding_idx zeroes the pad row's weights at init
    W = W.at[PAD_TOKEN_ID].set(0.0)
    return {"x": x, "W": W}

def reference(x, W):
    # nn.Embedding forward: gather rows of the table by token id
    out = jnp.take(W, x, axis=0)
    return out

if __name__ == "__main__":
    import jax
    _d = setup_inputs()
    print(jax.jit(kernel)(*tuple(_d.values())))

</pallas_src>

<mosaic_0001>
#map = affine_map<(d0, d1) -> (0)>
#map1 = affine_map<(d0, d1) -> (0, 0)>
module attributes {stable_mosaic.version = 14 : i64} {
  func.func @body(%arg0: i32, %arg1: i32, %arg2: memref<16384xi32, #tpu.memory_space<hbm>>, %arg3: memref<100000x2048xf32, #tpu.memory_space<hbm>>, %arg4: memref<16384x2048xf32, #tpu.memory_space<hbm>>, %arg5: memref<512xi32, #tpu.memory_space<vmem>>, %arg6: memref<8x2048xf32, #tpu.memory_space<vmem>>, %arg7: memref<8x2048xf32, #tpu.memory_space<vmem>>, %arg8: memref<8x2048xf32, #tpu.memory_space<vmem>>, %arg9: memref<16x3x8x2048xf32, #tpu.memory_space<vmem_shared>>, %arg10: memref<!tpu.dma_semaphore, #tpu.memory_space<semaphore_mem>>, %arg11: memref<!tpu.dma_semaphore, #tpu.memory_space<semaphore_mem>>, %arg12: memref<!tpu.dma_semaphore, #tpu.memory_space<semaphore_mem>>, %arg13: memref<!tpu.dma_semaphore, #tpu.memory_space<semaphore_mem>>, %arg14: memref<!tpu.dma_semaphore, #tpu.memory_space<semaphore_mem>>, %arg15: memref<!tpu.dma_semaphore, #tpu.memory_space<semaphore_mem>>, %arg16: memref<!tpu.dma_semaphore, #tpu.memory_space<semaphore_mem>>, %arg17: memref<!tpu.dma_semaphore, #tpu.memory_space<semaphore_mem>>, %arg18: memref<!tpu.dma_semaphore, #tpu.memory_space<semaphore_mem>>) attributes {dimension_semantics = [#tpu.dimension_semantics<core_parallel>, #tpu.dimension_semantics<subcore_parallel>], iteration_bounds = array<i64: 2, 16>, scalar_prefetch = 0 : i64, scratch_operands = 14 : i64, tpu.core_type = #tpu.core_type<sc_vector_subcore>, window_params = [{transform_indices = #map}, {transform_indices = #map1}, {transform_indices = #map1}]} {
    %mul3A = arith.constant 2 : i32
    %mul3A_0 = arith.muli %arg1, %mul3A : i32
    %add3A = arith.addi %mul3A_0, %arg0 : i32
    %mul3A_1 = arith.constant 512 : i32
    %mul3A_2 = arith.muli %add3A, %mul3A_1 : i32
    "tpu.region"() ({
      %run_scoped3A = tpu.sem_alloc : memref<!tpu.dma_semaphore, #tpu.memory_space<semaphore_mem>>
      %dma_start3A_313 = tpu.memref_slice %arg2[%mul3A_2] : memref<16384xi32, #tpu.memory_space<hbm>> -> memref<512xi32, #tpu.memory_space<hbm>>
      %dma_start3A_314 = tpu.memref_slice %arg2[%mul3A_2] : memref<16384xi32, #tpu.memory_space<hbm>> -> memref<512xi32, #tpu.memory_space<hbm>>
      tpu.enqueue_dma source(%dma_start3A_314 : memref<512xi32, #tpu.memory_space<hbm>>) target(%arg5 : memref<512xi32, #tpu.memory_space<vmem>>) target_semaphore(%run_scoped3A : memref<!tpu.dma_semaphore, #tpu.memory_space<semaphore_mem>>)
      %dma_wait3A_315 = tpu.memref_slice %arg2[%mul3A_2] : memref<16384xi32, #tpu.memory_space<hbm>> -> memref<512xi32, #tpu.memory_space<hbm>>
      %dma_wait3A_316 = tpu.memref_slice %arg2[%mul3A_2] : memref<16384xi32, #tpu.memory_space<hbm>> -> memref<512xi32, #tpu.memory_space<hbm>>
      tpu.wait_dma2 semaphore(%run_scoped3A : memref<!tpu.dma_semaphore, #tpu.memory_space<semaphore_mem>>) src(%dma_wait3A_316 : memref<512xi32, #tpu.memory_space<hbm>>) dst(%arg5 : memref<512xi32, #tpu.memory_space<vmem>>)
      tpu.yield
    }) : () -> ()
    %dma_start3A = arith.constant 0 : i32
    %dma_start3A_3 = tpu.memref_slice %arg5[%dma_start3A] : memref<512xi32, #tpu.memory_space<vmem>> -> memref<8xi32, #tpu.memory_space<vmem>>
    %dma_start3A_4 = arith.constant 0 : i32
    %dma_start3A_5 = arith.constant 0 : i32
    %dma_start3A_6 = tpu.memref_slice %arg3[%dma_start3A_4, %dma_start3A_5] : memref<100000x2048xf32, #tpu.memory_space<hbm>> -> memref<100000x2048xf32, #tpu.memory_space<hbm>>
    tpu.enqueue_indirect_dma source(%dma_start3A_6 : memref<100000x2048xf32, #tpu.memory_space<hbm>>) target(%arg6 : memref<8x2048xf32, #tpu.memory_space<vmem>>) offsets(%dma_start3A_3 : memref<8xi32, #tpu.memory_space<vmem>>) semaphore(%arg10 : memref<!tpu.dma_semaphore, #tpu.memory_space<semaphore_mem>>)
    %dma_start3A_7 = arith.constant 8 : i32
    %dma_start3A_8 = tpu.memref_slice %arg5[%dma_start3A_7] : memref<512xi32, #tpu.memory_space<vmem>> -> memref<8xi32, #tpu.memory_space<vmem>>
    %dma_start3A_9 = arith.constant 0 : i32
    %dma_start3A_10 = arith.constant 0 : i32
    %dma_start3A_11 = tpu.memref_slice %arg3[%dma_start3A_9, %dma_start3A_10] : memref<100000x2048xf32, #tpu.memory_space<hbm>> -> memref<100000x2048xf32, #tpu.memory_space<hbm>>
    tpu.enqueue_indirect_dma source(%dma_start3A_11 : memref<100000x2048xf32, #tpu.memory_space<hbm>>) target(%arg7 : memref<8x2048xf32, #tpu.memory_space<vmem>>) offsets(%dma_start3A_8 : memref<8xi32, #tpu.memory_space<vmem>>) semaphore(%arg11 : memref<!tpu.dma_semaphore, #tpu.memory_space<semaphore_mem>>)
    %dma_wait3A = arith.constant 0 : i32
    %dma_wait3A_12 = tpu.memref_slice %arg5[%dma_wait3A] : memref<512xi32, #tpu.memory_space<vmem>> -> memref<8xi32, #tpu.memory_space<vmem>>
    %dma_wait3A_13 = arith.constant 0 : i32
    %dma_wait3A_14 = arith.constant 0 : i32
    %dma_wait3A_15 = tpu.memref_slice %arg3[%dma_wait3A_13, %dma_wait3A_14] : memref<100000x2048xf32, #tpu.memory_space<hbm>> -> memref<100000x2048xf32, #tpu.memory_space<hbm>>
    tpu.wait_indirect_dma semaphore(%arg10 : memref<!tpu.dma_semaphore, #tpu.memory_space<semaphore_mem>>) src(%dma_wait3A_15 : memref<100000x2048xf32, #tpu.memory_space<hbm>>) dst(%arg6 : memref<8x2048xf32, #tpu.memory_space<vmem>>)
    %dma_start3A_16 = arith.constant 0 : i32
    %dma_start3A_17 = arith.constant 0 : i32
    %dma_start3A_18 = arith.constant 0 : i32
    %dma_start3A_19 = tpu.memref_slice %arg9[%arg1, %dma_start3A_16, %dma_start3A_17, %dma_start3A_18] : memref<16x3x8x2048xf32, #tpu.memory_space<vmem_shared>> -> memref<1x1x8x2048xf32, #tpu.memory_space<vmem_shared>>
    %dma_start3A_20 = tpu.memref_squeeze %dma_start3A_19 : memref<1x1x8x2048xf32, #tpu.memory_space<vmem_shared>> -> memref<8x2048xf32, #tpu.memory_space<vmem_shared>>
    %dma_start3A_21 = arith.constant 0 : i32
    %dma_start3A_22 = arith.constant 0 : i32
    %dma_start3A_23 = tpu.memref_slice %arg9[%arg1, %dma_start3A_16, %dma_start3A_21, %dma_start3A_22] : memref<16x3x8x2048xf32, #tpu.memory_space<vmem_shared>> -> memref<1x1x8x2048xf32, #tpu.memory_space<vmem_shared>>
    %dma_start3A_24 = tpu.memref_squeeze %dma_start3A_23 : memref<1x1x8x2048xf32, #tpu.memory_space<vmem_shared>> -> memref<8x2048xf32, #tpu.memory_space<vmem_shared>>
    tpu.enqueue_dma source(%arg6 : memref<8x2048xf32, #tpu.memory_space<vmem>>) target(%dma_start3A_24 : memref<8x2048xf32, #tpu.memory_space<vmem_shared>>) target_semaphore(%arg13 : memref<!tpu.dma_semaphore, #tpu.memory_space<semaphore_mem>>)
    %dma_start3A_25 = arith.constant 16 : i32
    %dma_start3A_26 = tpu.memref_slice %arg5[%dma_start3A_25] : memref<512xi32, #tpu.memory_space<vmem>> -> memref<8xi32, #tpu.memory_space<vmem>>
    %dma_start3A_27 = arith.constant 0 : i32
    %dma_start3A_28 = arith.constant 0 : i32
    %dma_start3A_29 = tpu.memref_slice %arg3[%dma_start3A_27, %dma_start3A_28] : memref<100000x2048xf32, #tpu.memory_space<hbm>> -> memref<100000x2048xf32, #tpu.memory_space<hbm>>
    tpu.enqueue_indirect_dma source(%dma_start3A_29 : memref<100000x2048xf32, #tpu.memory_space<hbm>>) target(%arg8 : memref<8x2048xf32, #tpu.memory_space<vmem>>) offsets(%dma_start3A_26 : memref<8xi32, #tpu.memory_space<vmem>>) semaphore(%arg12 : memref<!tpu.dma_semaphore, #tpu.memory_space<semaphore_mem>>)
    %dma_wait3A_30 = arith.constant 0 : i32
    %dma_wait3A_31 = tpu.memref_slice %arg5[%dma_wait3A_30] : memref<512xi32, #tpu.memory_space<vmem>> -> memref<8xi32, #tpu.memory_space<vmem>>
    %dma_wait3A_32 = arith.constant 0 : i32
    %dma_wait3A_33 = arith.constant 0 : i32
    %dma_wait3A_34 = tpu.memref_slice %arg3[%dma_wait3A_32, %dma_wait3A_33] : memref<100000x2048xf32, #tpu.memory_space<hbm>> -> memref<100000x2048xf32, #tpu.memory_space<hbm>>
    tpu.wait_indirect_dma semaphore(%arg11 : memref<!tpu.dma_semaphore, #tpu.memory_space<semaphore_mem>>) src(%dma_wait3A_34 : memref<100000x2048xf32, #tpu.memory_space<hbm>>) dst(%arg7 : memref<8x2048xf32, #tpu.memory_space<vmem>>)
    %dma_start3A_35 = arith.constant 1 : i32
    %dma_start3A_36 = arith.constant 0 : i32
    %dma_start3A_37 = arith.constant 0 : i32
    %dma_start3A_38 = tpu.memref_slice %arg9[%arg1, %dma_start3A_35, %dma_start3A_36, %dma_start3A_37] : memref<16x3x8x2048xf32, #tpu.memory_space<vmem_shared>> -> memref<1x1x8x2048xf32, #tpu.memory_space<vmem_shared>>
    %dma_start3A_39 = tpu.memref_squeeze %dma_start3A_38 : memref<1x1x8x2048xf32, #tpu.memory_space<vmem_shared>> -> memref<8x2048xf32, #tpu.memory_space<vmem_shared>>
    %dma_start3A_40 = arith.constant 0 : i32
    %dma_start3A_41 = arith.constant 0 : i32
    %dma_start3A_42 = tpu.memref_slice %arg9[%arg1, %dma_start3A_35, %dma_start3A_40, %dma_start3A_41] : memref<16x3x8x2048xf32, #tpu.memory_space<vmem_shared>> -> memref<1x1x8x2048xf32, #tpu.memory_space<vmem_shared>>
    %dma_start3A_43 = tpu.memref_squeeze %dma_start3A_42 : memref<1x1x8x2048xf32, #tpu.memory_space<vmem_shared>> -> memref<8x2048xf32, #tpu.memory_space<vmem_shared>>
    tpu.enqueue_dma source(%arg7 : memref<8x2048xf32, #tpu.memory_space<vmem>>) target(%dma_start3A_43 : memref<8x2048xf32, #tpu.memory_space<vmem_shared>>) target_semaphore(%arg14 : memref<!tpu.dma_semaphore, #tpu.memory_space<semaphore_mem>>)
    %dma_wait3A_44 = arith.constant 0 : i32
    %dma_wait3A_45 = arith.constant 0 : i32
    %dma_wait3A_46 = arith.constant 0 : i32
    %dma_wait3A_47 = tpu.memref_slice %arg9[%arg1, %dma_wait3A_44, %dma_wait3A_45, %dma_wait3A_46] : memref<16x3x8x2048xf32, #tpu.memory_space<vmem_shared>> -> memref<1x1x8x2048xf32, #tpu.memory_space<vmem_shared>>
    %dma_wait3A_48 = tpu.memref_squeeze %dma_wait3A_47 : memref<1x1x8x2048xf32, #tpu.memory_space<vmem_shared>> -> memref<8x2048xf32, #tpu.memory_space<vmem_shared>>
    %dma_wait3A_49 = arith.constant 0 : i32
    %dma_wait3A_50 = arith.constant 0 : i32
    %dma_wait3A_51 = tpu.memref_slice %arg9[%arg1, %dma_wait3A_44, %dma_wait3A_49, %dma_wait3A_50] : memref<16x3x8x2048xf32, #tpu.memory_space<vmem_shared>> -> memref<1x1x8x2048xf32, #tpu.memory_space<vmem_shared>>
    %dma_wait3A_52 = tpu.memref_squeeze %dma_wait3A_51 : memref<1x1x8x2048xf32, #tpu.memory_space<vmem_shared>> -> memref<8x2048xf32, #tpu.memory_space<vmem_shared>>
    tpu.wait_dma2 semaphore(%arg13 : memref<!tpu.dma_semaphore, #tpu.memory_space<semaphore_mem>>) src(%arg6 : memref<8x2048xf32, #tpu.memory_space<vmem>>) dst(%dma_wait3A_52 : memref<8x2048xf32, #tpu.memory_space<vmem_shared>>)
    %add3A_53 = arith.constant 0 : i32
    %add3A_54 = arith.addi %mul3A_2, %add3A_53 : i32
    %dma_start3A_55 = arith.constant 0 : i32
    %dma_start3A_56 = arith.constant 0 : i32
    %dma_start3A_57 = tpu.memref_slice %arg4[%add3A_54, %dma_start3A_56] : memref<16384x2048xf32, #tpu.memory_space<hbm>> -> memref<8x2048xf32, #tpu.memory_space<hbm>>
    %dma_start3A_58 = arith.constant 0 : i32
    %dma_start3A_59 = arith.constant 0 : i32
    %dma_start3A_60 = tpu.memref_slice %arg9[%arg1, %dma_start3A_55, %dma_start3A_58, %dma_start3A_59] : memref<16x3x8x2048xf32, #tpu.memory_space<vmem_shared>> -> memref<1x1x8x2048xf32, #tpu.memory_space<vmem_shared>>
    %dma_start3A_61 = tpu.memref_squeeze %dma_start3A_60 : memref<1x1x8x2048xf32, #tpu.memory_space<vmem_shared>> -> memref<8x2048xf32, #tpu.memory_space<vmem_shared>>
    tpu.enqueue_dma source(%dma_start3A_61 : memref<8x2048xf32, #tpu.memory_space<vmem_shared>>) target(%dma_start3A_57 : memref<8x2048xf32, #tpu.memory_space<hbm>>) target_semaphore(%arg16 : memref<!tpu.dma_semaphore, #tpu.memory_space<semaphore_mem>>)
    %dma_start3A_62 = arith.constant 24 : i32
    %dma_start3A_63 = tpu.memref_slice %arg5[%dma_start3A_62] : memref<512xi32, #tpu.memory_space<vmem>> -> memref<8xi32, #tpu.memory_space<vmem>>
    %dma_start3A_64 = arith.constant 0 : i32
    %dma_start3A_65 = arith.constant 0 : i32
    %dma_start3A_66 = tpu.memref_slice %arg3[%dma_start3A_64, %dma_start3A_65] : memref<100000x2048xf32, #tpu.memory_space<hbm>> -> memref<100000x2048xf32, #tpu.memory_space<hbm>>
    tpu.enqueue_indirect_dma source(%dma_start3A_66 : memref<100000x2048xf32, #tpu.memory_space<hbm>>) target(%arg6 : memref<8x2048xf32, #tpu.memory_space<vmem>>) offsets(%dma_start3A_63 : memref<8xi32, #tpu.memory_space<vmem>>) semaphore(%arg10 : memref<!tpu.dma_semaphore, #tpu.memory_space<semaphore_mem>>)
    %dma_wait3A_67 = arith.constant 0 : i32
    %dma_wait3A_68 = tpu.memref_slice %arg5[%dma_wait3A_67] : memref<512xi32, #tpu.memory_space<vmem>> -> memref<8xi32, #tpu.memory_space<vmem>>
    %dma_wait3A_69 = arith.constant 0 : i32
    %dma_wait3A_70 = arith.constant 0 : i32
    %dma_wait3A_71 = tpu.memref_slice %arg3[%dma_wait3A_69, %dma_wait3A_70] : memref<100000x2048xf32, #tpu.memory_space<hbm>> -> memref<100000x2048xf32, #tpu.memory_space<hbm>>
    tpu.wait_indirect_dma semaphore(%arg12 : memref<!tpu.dma_semaphore, #tpu.memory_space<semaphore_mem>>) src(%dma_wait3A_71 : memref<100000x2048xf32, #tpu.memory_space<hbm>>) dst(%arg8 : memref<8x2048xf32, #tpu.memory_space<vmem>>)
    %dma_start3A_72 = arith.constant 2 : i32
    %dma_start3A_73 = arith.constant 0 : i32
    %dma_start3A_74 = arith.constant 0 : i32
    %dma_start3A_75 = tpu.memref_slice %arg9[%arg1, %dma_start3A_72, %dma_start3A_73, %dma_start3A_74] : memref<16x3x8x2048xf32, #tpu.memory_space<vmem_shared>> -> memref<1x1x8x2048xf32, #tpu.memory_space<vmem_shared>>
    %dma_start3A_76 = tpu.memref_squeeze %dma_start3A_75 : memref<1x1x8x2048xf32, #tpu.memory_space<vmem_shared>> -> memref<8x2048xf32, #tpu.memory_space<vmem_shared>>
    %dma_start3A_77 = arith.constant 0 : i32
    %dma_start3A_78 = arith.constant 0 : i32
    %dma_start3A_79 = tpu.memref_slice %arg9[%arg1, %dma_start3A_72, %dma_start3A_77, %dma_start3A_78] : memref<16x3x8x2048xf32, #tpu.memory_space<vmem_shared>> -> memref<1x1x8x2048xf32, #tpu.memory_space<vmem_shared>>
    %dma_start3A_80 = tpu.memref_squeeze %dma_start3A_79 : memref<1x1x8x2048xf32, #tpu.memory_space<vmem_shared>> -> memref<8x2048xf32, #tpu.memory_space<vmem_shared>>
    tpu.enqueue_dma source(%arg8 : memref<8x2048xf32, #tpu.memory_space<vmem>>) target(%dma_start3A_80 : memref<8x2048xf32, #tpu.memory_space<vmem_shared>>) target_semaphore(%arg15 : memref<!tpu.dma_semaphore, #tpu.memory_space<semaphore_mem>>)
    %dma_wait3A_81 = arith.constant 1 : i32
    %dma_wait3A_82 = arith.constant 0 : i32
    %dma_wait3A_83 = arith.constant 0 : i32
    %dma_wait3A_84 = tpu.memref_slice %arg9[%arg1, %dma_wait3A_81, %dma_wait3A_82, %dma_wait3A_83] : memref<16x3x8x2048xf32, #tpu.memory_space<vmem_shared>> -> memref<1x1x8x2048xf32, #tpu.memory_space<vmem_shared>>
    %dma_wait3A_85 = tpu.memref_squeeze %dma_wait3A_84 : memref<1x1x8x2048xf32, #tpu.memory_space<vmem_shared>> -> memref<8x2048xf32, #tpu.memory_space<vmem_shared>>
    %dma_wait3A_86 = arith.constant 0 : i32
    %dma_wait3A_87 = arith.constant 0 : i32
    %dma_wait3A_88 = tpu.memref_slice %arg9[%arg1, %dma_wait3A_81, %dma_wait3A_86, %dma_wait3A_87] : memref<16x3x8x2048xf32, #tpu.memory_space<vmem_shared>> -> memref<1x1x8x2048xf32, #tpu.memory_space<vmem_shared>>
    %dma_wait3A_89 = tpu.memref_squeeze %dma_wait3A_88 : memref<1x1x8x2048xf32, #tpu.memory_space<vmem_shared>> -> memref<8x2048xf32, #tpu.memory_space<vmem_shared>>
    tpu.wait_dma2 semaphore(%arg14 : memref<!tpu.dma_semaphore, #tpu.memory_space<semaphore_mem>>) src(%arg7 : memref<8x2048xf32, #tpu.memory_space<vmem>>) dst(%dma_wait3A_89 : memref<8x2048xf32, #tpu.memory_space<vmem_shared>>)
    %add3A_90 = arith.constant 8 : i32
    %add3A_91 = arith.addi %mul3A_2, %add3A_90 : i32
    %dma_start3A_92 = arith.constant 1 : i32
    %dma_start3A_93 = arith.constant 0 : i32
    %dma_start3A_94 = tpu.memref_slice %arg4[%add3A_91, %dma_start3A_93] : memref<16384x2048xf32, #tpu.memory_space<hbm>> -> memref<8x2048xf32, #tpu.memory_space<hbm>>
    %dma_start3A_95 = arith.constant 0 : i32
    %dma_start3A_96 = arith.constant 0 : i32
    %dma_start3A_97 = tpu.memref_slice %arg9[%arg1, %dma_start3A_92, %dma_start3A_95, %dma_start3A_96] : memref<16x3x8x2048xf32, #tpu.memory_space<vmem_shared>> -> memref<1x1x8x2048xf32, #tpu.memory_space<vmem_shared>>
    %dma_start3A_98 = tpu.memref_squeeze %dma_start3A_97 : memref<1x1x8x2048xf32, #tpu.memory_space<vmem_shared>> -> memref<8x2048xf32, #tpu.memory_space<vmem_shared>>
    tpu.enqueue_dma source(%dma_start3A_98 : memref<8x2048xf32, #tpu.memory_space<vmem_shared>>) target(%dma_start3A_94 : memref<8x2048xf32, #tpu.memory_space<hbm>>) target_semaphore(%arg17 : memref<!tpu.dma_semaphore, #tpu.memory_space<semaphore_mem>>)
    %dma_start3A_99 = arith.constant 32 : i32
    %dma_start3A_100 = tpu.memref_slice %arg5[%dma_start3A_99] : memref<512xi32, #tpu.memory_space<vmem>> -> memref<8xi32, #tpu.memory_space<vmem>>
    %dma_start3A_101 = arith.constant 0 : i32
    %dma_start3A_102 = arith.constant 0 : i32
    %dma_start3A_103 = tpu.memref_slice %arg3[%dma_start3A_101, %dma_start3A_102] : memref<100000x2048xf32, #tpu.memory_space<hbm>> -> memref<100000x2048xf32, #tpu.memory_space<hbm>>
    tpu.enqueue_indirect_dma source(%dma_start3A_103 : memref<100000x2048xf32, #tpu.memory_space<hbm>>) target(%arg7 : memref<8x2048xf32, #tpu.memory_space<vmem>>) offsets(%dma_start3A_100 : memref<8xi32, #tpu.memory_space<vmem>>) semaphore(%arg11 : memref<!tpu.dma_semaphore, #tpu.memory_space<semaphore_mem>>)
    %scan3A = arith.constant 0 : i32
    %scan3A_104 = arith.constant 19 : i32
    %scan3A_105 = arith.addi %scan3A, %scan3A_104 : i32
    %scan3A_106 = arith.constant 1 : i32
    scf.for %scan3A_313 = %scan3A to %scan3A_105 step %scan3A_106  : i32 {
      %mul3A_314 = arith.constant 1 : i32
      %mul3A_315 = arith.muli %scan3A_313, %mul3A_314 : i32
      %add3A_316 = arith.constant 1 : i32
      %add3A_317 = arith.addi %add3A_316, %mul3A_315 : i32
      %mul3A_318 = arith.constant 3 : i32
      %mul3A_319 = arith.muli %mul3A_318, %add3A_317 : i32
      %add3A_320 = arith.constant 0 : i32
      %add3A_321 = arith.addi %mul3A_319, %add3A_320 : i32
      %dma_wait3A_322 = arith.constant 0 : i32
      %dma_wait3A_323 = tpu.memref_slice %arg5[%dma_wait3A_322] : memref<512xi32, #tpu.memory_space<vmem>> -> memref<8xi32, #tpu.memory_space<vmem>>
      %dma_wait3A_324 = arith.constant 0 : i32
      %dma_wait3A_325 = arith.constant 0 : i32
      %dma_wait3A_326 = tpu.memref_slice %arg3[%dma_wait3A_324, %dma_wait3A_325] : memref<100000x2048xf32, #tpu.memory_space<hbm>> -> memref<100000x2048xf32, #tpu.memory_space<hbm>>
      tpu.wait_indirect_dma semaphore(%arg10 : memref<!tpu.dma_semaphore, #tpu.memory_space<semaphore_mem>>) src(%dma_wait3A_326 : memref<100000x2048xf32, #tpu.memory_space<hbm>>) dst(%arg6 : memref<8x2048xf32, #tpu.memory_space<vmem>>)
      %dma_wait3A_327 = arith.constant 0 : i32
      %dma_wait3A_328 = arith.constant 0 : i32
      %dma_wait3A_329 = tpu.memref_slice %arg4[%mul3A_2, %dma_wait3A_328] : memref<16384x2048xf32, #tpu.memory_space<hbm>> -> memref<8x2048xf32, #tpu.memory_space<hbm>>
      %dma_wait3A_330 = arith.constant 0 : i32
      %dma_wait3A_331 = arith.constant 0 : i32
      %dma_wait3A_332 = tpu.memref_slice %arg9[%arg1, %dma_wait3A_327, %dma_wait3A_330, %dma_wait3A_331] : memref<16x3x8x2048xf32, #tpu.memory_space<vmem_shared>> -> memref<1x1x8x2048xf32, #tpu.memory_space<vmem_shared>>
      %dma_wait3A_333 = tpu.memref_squeeze %dma_wait3A_332 : memref<1x1x8x2048xf32, #tpu.memory_space<vmem_shared>> -> memref<8x2048xf32, #tpu.memory_space<vmem_shared>>
      tpu.wait_dma2 semaphore(%arg16 : memref<!tpu.dma_semaphore, #tpu.memory_space<semaphore_mem>>) src(%dma_wait3A_333 : memref<8x2048xf32, #tpu.memory_space<vmem_shared>>) dst(%dma_wait3A_329 : memref<8x2048xf32, #tpu.memory_space<hbm>>)
      %dma_start3A_334 = arith.constant 0 : i32
      %dma_start3A_335 = arith.constant 0 : i32
      %dma_start3A_336 = arith.constant 0 : i32
      %dma_start3A_337 = tpu.memref_slice %arg9[%arg1, %dma_start3A_334, %dma_start3A_335, %dma_start3A_336] : memref<16x3x8x2048xf32, #tpu.memory_space<vmem_shared>> -> memref<1x1x8x2048xf32, #tpu.memory_space<vmem_shared>>
      %dma_start3A_338 = tpu.memref_squeeze %dma_start3A_337 : memref<1x1x8x2048xf32, #tpu.memory_space<vmem_shared>> -> memref<8x2048xf32, #tpu.memory_space<vmem_shared>>
      %dma_start3A_339 = arith.constant 0 : i32
      %dma_start3A_340 = arith.constant 0 : i32
      %dma_start3A_341 = tpu.memref_slice %arg9[%arg1, %dma_start3A_334, %dma_start3A_339, %dma_start3A_340] : memref<16x3x8x2048xf32, #tpu.memory_space<vmem_shared>> -> memref<1x1x8x2048xf32, #tpu.memory_space<vmem_shared>>
      %dma_start3A_342 = tpu.memref_squeeze %dma_start3A_341 : memref<1x1x8x2048xf32, #tpu.memory_space<vmem_shared>> -> memref<8x2048xf32, #tpu.memory_space<vmem_shared>>
      tpu.enqueue_dma source(%arg6 : memref<8x2048xf32, #tpu.memory_space<vmem>>) target(%dma_start3A_342 : memref<8x2048xf32, #tpu.memory_space<vmem_shared>>) target_semaphore(%arg13 : memref<!tpu.dma_semaphore, #tpu.memory_space<semaphore_mem>>)
      %dma_wait3A_343 = arith.constant 2 : i32
      %dma_wait3A_344 = arith.constant 0 : i32
      %dma_wait3A_345 = arith.constant 0 : i32
      %dma_wait3A_346 = tpu.memref_slice %arg9[%arg1, %dma_wait3A_343, %dma_wait3A_344, %dma_wait3A_345] : memref<16x3x8x2048xf32, #tpu.memory_space<vmem_shared>> -> memref<1x1x8x2048xf32, #tpu.memory_space<vmem_shared>>
      %dma_wait3A_347 = tpu.memref_squeeze %dma_wait3A_346 : memref<1x1x8x2048xf32, #tpu.memory_space<vmem_shared>> -> memref<8x2048xf32, #tpu.memory_space<vmem_shared>>
      %dma_wait3A_348 = arith.constant 0 : i32
      %dma_wait3A_349 = arith.constant 0 : i32
      %dma_wait3A_350 = tpu.memref_slice %arg9[%arg1, %dma_wait3A_343, %dma_wait3A_348, %dma_wait3A_349] : memref<16x3x8x2048xf32, #tpu.memory_space<vmem_shared>> -> memref<1x1x8x2048xf32, #tpu.memory_space<vmem_shared>>
      %dma_wait3A_351 = tpu.memref_squeeze %dma_wait3A_350 : memref<1x1x8x2048xf32, #tpu.memory_space<vmem_shared>> -> memref<8x2048xf32, #tpu.memory_space<vmem_shared>>
      tpu.wait_dma2 semaphore(%arg15 : memref<!tpu.dma_semaphore, #tpu.memory_space<semaphore_mem>>) src(%arg8 : memref<8x2048xf32, #tpu.memory_space<vmem>>) dst(%dma_wait3A_351 : memref<8x2048xf32, #tpu.memory_space<vmem_shared>>)
      %sub3A = arith.constant 1 : i32
      %sub3A_352 = arith.subi %add3A_321, %sub3A : i32
      %mul3A_353 = arith.constant 8 : i32
      %mul3A_354 = arith.muli %sub3A_352, %mul3A_353 : i32
      %add3A_355 = arith.addi %mul3A_2, %mul3A_354 : i32
      %dma_start3A_356 = arith.constant 2 : i32
      %dma_start3A_357 = arith.constant 0 : i32
      %dma_start3A_358 = tpu.memref_slice %arg4[%add3A_355, %dma_start3A_357] : memref<16384x2048xf32, #tpu.memory_space<hbm>> -> memref<8x2048xf32, #tpu.memory_space<hbm>>
      %dma_start3A_359 = arith.constant 0 : i32
      %dma_start3A_360 = arith.constant 0 : i32
      %dma_start3A_361 = tpu.memref_slice %arg9[%arg1, %dma_start3A_356, %dma_start3A_359, %dma_start3A_360] : memref<16x3x8x2048xf32, #tpu.memory_space<vmem_shared>> -> memref<1x1x8x2048xf32, #tpu.memory_space<vmem_shared>>
      %dma_start3A_362 = tpu.memref_squeeze %dma_start3A_361 : memref<1x1x8x2048xf32, #tpu.memory_space<vmem_shared>> -> memref<8x2048xf32, #tpu.memory_space<vmem_shared>>
      tpu.enqueue_dma source(%dma_start3A_362 : memref<8x2048xf32, #tpu.memory_space<vmem_shared>>) target(%dma_start3A_358 : memref<8x2048xf32, #tpu.memory_space<hbm>>) target_semaphore(%arg18 : memref<!tpu.dma_semaphore, #tpu.memory_space<semaphore_mem>>)
      %add3A_363 = arith.constant 2 : i32
      %add3A_364 = arith.addi %add3A_321, %add3A_363 : i32
      %mul3A_365 = arith.constant 8 : i32
      %mul3A_366 = arith.muli %add3A_364, %mul3A_365 : i32
      %dma_start3A_367 = tpu.memref_slice %arg5[%mul3A_366] : memref<512xi32, #tpu.memory_space<vmem>> -> memref<8xi32, #tpu.memory_space<vmem>>
      %dma_start3A_368 = arith.constant 0 : i32
      %dma_start3A_369 = arith.constant 0 : i32
      %dma_start3A_370 = tpu.memref_slice %arg3[%dma_start3A_368, %dma_start3A_369] : memref<100000x2048xf32, #tpu.memory_space<hbm>> -> memref<100000x2048xf32, #tpu.memory_space<hbm>>
      tpu.enqueue_indirect_dma source(%dma_start3A_370 : memref<100000x2048xf32, #tpu.memory_space<hbm>>) target(%arg8 : memref<8x2048xf32, #tpu.memory_space<vmem>>) offsets(%dma_start3A_367 : memref<8xi32, #tpu.memory_space<vmem>>) semaphore(%arg12 : memref<!tpu.dma_semaphore, #tpu.memory_space<semaphore_mem>>)
      %mul3A_371 = arith.constant 3 : i32
      %mul3A_372 = arith.muli %mul3A_371, %add3A_317 : i32
      %add3A_373 = arith.constant 1 : i32
      %add3A_374 = arith.addi %mul3A_372, %add3A_373 : i32
      %dma_wait3A_375 = arith.constant 0 : i32
      %dma_wait3A_376 = tpu.memref_slice %arg5[%dma_wait3A_375] : memref<512xi32, #tpu.memory_space<vmem>> -> memref<8xi32, #tpu.memory_space<vmem>>
      %dma_wait3A_377 = arith.constant 0 : i32
      %dma_wait3A_378 = arith.constant 0 : i32
      %dma_wait3A_379 = tpu.memref_slice %arg3[%dma_wait3A_377, %dma_wait3A_378] : memref<100000x2048xf32, #tpu.memory_space<hbm>> -> memref<100000x2048xf32, #tpu.memory_space<hbm>>
      tpu.wait_indirect_dma semaphore(%arg11 : memref<!tpu.dma_semaphore, #tpu.memory_space<semaphore_mem>>) src(%dma_wait3A_379 : memref<100000x2048xf32, #tpu.memory_space<hbm>>) dst(%arg7 : memref<8x2048xf32, #tpu.memory_space<vmem>>)
      %dma_wait3A_380 = arith.constant 1 : i32
      %dma_wait3A_381 = arith.constant 0 : i32
      %dma_wait3A_382 = tpu.memref_slice %arg4[%mul3A_2, %dma_wait3A_381] : memref<16384x2048xf32, #tpu.memory_space<hbm>> -> memref<8x2048xf32, #tpu.memory_space<hbm>>
      %dma_wait3A_383 = arith.constant 0 : i32
      %dma_wait3A_384 = arith.constant 0 : i32
      %dma_wait3A_385 = tpu.memref_slice %arg9[%arg1, %dma_wait3A_380, %dma_wait3A_383, %dma_wait3A_384] : memref<16x3x8x2048xf32, #tpu.memory_space<vmem_shared>> -> memref<1x1x8x2048xf32, #tpu.memory_space<vmem_shared>>
      %dma_wait3A_386 = tpu.memref_squeeze %dma_wait3A_385 : memref<1x1x8x2048xf32, #tpu.memory_space<vmem_shared>> -> memref<8x2048xf32, #tpu.memory_space<vmem_shared>>
      tpu.wait_dma2 semaphore(%arg17 : memref<!tpu.dma_semaphore, #tpu.memory_space<semaphore_mem>>) src(%dma_wait3A_386 : memref<8x2048xf32, #tpu.memory_space<vmem_shared>>) dst(%dma_wait3A_382 : memref<8x2048xf32, #tpu.memory_space<hbm>>)
      %dma_start3A_387 = arith.constant 1 : i32
      %dma_start3A_388 = arith.constant 0 : i32
      %dma_start3A_389 = arith.constant 0 : i32
      %dma_start3A_390 = tpu.memref_slice %arg9[%arg1, %dma_start3A_387, %dma_start3A_388, %dma_start3A_389] : memref<16x3x8x2048xf32, #tpu.memory_space<vmem_shared>> -> memref<1x1x8x2048xf32, #tpu.memory_space<vmem_shared>>
      %dma_start3A_391 = tpu.memref_squeeze %dma_start3A_390 : memref<1x1x8x2048xf32, #tpu.memory_space<vmem_shared>> -> memref<8x2048xf32, #tpu.memory_space<vmem_shared>>
      %dma_start3A_392 = arith.constant 0 : i32
      %dma_start3A_393 = arith.constant 0 : i32
      %dma_start3A_394 = tpu.memref_slice %arg9[%arg1, %dma_start3A_387, %dma_start3A_392, %dma_start3A_393] : memref<16x3x8x2048xf32, #tpu.memory_space<vmem_shared>> -> memref<1x1x8x2048xf32, #tpu.memory_space<vmem_shared>>
      %dma_start3A_395 = tpu.memref_squeeze %dma_start3A_394 : memref<1x1x8x2048xf32, #tpu.memory_space<vmem_shared>> -> memref<8x2048xf32, #tpu.memory_space<vmem_shared>>
      tpu.enqueue_dma source(%arg7 : memref<8x2048xf32, #tpu.memory_space<vmem>>) target(%dma_start3A_395 : memref<8x2048xf32, #tpu.memory_space<vmem_shared>>) target_semaphore(%arg14 : memref<!tpu.dma_semaphore, #tpu.memory_space<semaphore_mem>>)
      %dma_wait3A_396 = arith.constant 0 : i32
      %dma_wait3A_397 = arith.constant 0 : i32
      %dma_wait3A_398 = arith.constant 0 : i32
      %dma_wait3A_399 = tpu.memref_slice %arg9[%arg1, %dma_wait3A_396, %dma_wait3A_397, %dma_wait3A_398] : memref<16x3x8x2048xf32, #tpu.memory_space<vmem_shared>> -> memref<1x1x8x2048xf32, #tpu.memory_space<vmem_shared>>
      %dma_wait3A_400 = tpu.memref_squeeze %dma_wait3A_399 : memref<1x1x8x2048xf32, #tpu.memory_space<vmem_shared>> -> memref<8x2048xf32, #tpu.memory_space<vmem_shared>>
      %dma_wait3A_401 = arith.constant 0 : i32
      %dma_wait3A_402 = arith.constant 0 : i32
      %dma_wait3A_403 = tpu.memref_slice %arg9[%arg1, %dma_wait3A_396, %dma_wait3A_401, %dma_wait3A_402] : memref<16x3x8x2048xf32, #tpu.memory_space<vmem_shared>> -> memref<1x1x8x2048xf32, #tpu.memory_space<vmem_shared>>
      %dma_wait3A_404 = tpu.memref_squeeze %dma_wait3A_403 : memref<1x1x8x2048xf32, #tpu.memory_space<vmem_shared>> -> memref<8x2048xf32, #tpu.memory_space<vmem_shared>>
      tpu.wait_dma2 semaphore(%arg13 : memref<!tpu.dma_semaphore, #tpu.memory_space<semaphore_mem>>) src(%arg6 : memref<8x2048xf32, #tpu.memory_space<vmem>>) dst(%dma_wait3A_404 : memref<8x2048xf32, #tpu.memory_space<vmem_shared>>)
      %sub3A_405 = arith.constant 1 : i32
      %sub3A_406 = arith.subi %add3A_374, %sub3A_405 : i32
      %mul3A_407 = arith.constant 8 : i32
      %mul3A_408 = arith.muli %sub3A_406, %mul3A_407 : i32
      %add3A_409 = arith.addi %mul3A_2, %mul3A_408 : i32
      %dma_start3A_410 = arith.constant 0 : i32
      %dma_start3A_411 = arith.constant 0 : i32
      %dma_start3A_412 = tpu.memref_slice %arg4[%add3A_409, %dma_start3A_411] : memref<16384x2048xf32, #tpu.memory_space<hbm>> -> memref<8x2048xf32, #tpu.memory_space<hbm>>
      %dma_start3A_413 = arith.constant 0 : i32
      %dma_start3A_414 = arith.constant 0 : i32
      %dma_start3A_415 = tpu.memref_slice %arg9[%arg1, %dma_start3A_410, %dma_start3A_413, %dma_start3A_414] : memref<16x3x8x2048xf32, #tpu.memory_space<vmem_shared>> -> memref<1x1x8x2048xf32, #tpu.memory_space<vmem_shared>>
      %dma_start3A_416 = tpu.memref_squeeze %dma_start3A_415 : memref<1x1x8x2048xf32, #tpu.memory_space<vmem_shared>> -> memref<8x2048xf32, #tpu.memory_space<vmem_shared>>
      tpu.enqueue_dma source(%dma_start3A_416 : memref<8x2048xf32, #tpu.memory_space<vmem_shared>>) target(%dma_start3A_412 : memref<8x2048xf32, #tpu.memory_space<hbm>>) target_semaphore(%arg16 : memref<!tpu.dma_semaphore, #tpu.memory_space<semaphore_mem>>)
      %add3A_417 = arith.constant 2 : i32
      %add3A_418 = arith.addi %add3A_374, %add3A_417 : i32
      %mul3A_419 = arith.constant 8 : i32
      %mul3A_420 = arith.muli %add3A_418, %mul3A_419 : i32
      %dma_start3A_421 = tpu.memref_slice %arg5[%mul3A_420] : memref<512xi32, #tpu.memory_space<vmem>> -> memref<8xi32, #tpu.memory_space<vmem>>
      %dma_start3A_422 = arith.constant 0 : i32
      %dma_start3A_423 = arith.constant 0 : i32
      %dma_start3A_424 = tpu.memref_slice %arg3[%dma_start3A_422, %dma_start3A_423] : memref<100000x2048xf32, #tpu.memory_space<hbm>> -> memref<100000x2048xf32, #tpu.memory_space<hbm>>
      tpu.enqueue_indirect_dma source(%dma_start3A_424 : memref<100000x2048xf32, #tpu.memory_space<hbm>>) target(%arg6 : memref<8x2048xf32, #tpu.memory_space<vmem>>) offsets(%dma_start3A_421 : memref<8xi32, #tpu.memory_space<vmem>>) semaphore(%arg10 : memref<!tpu.dma_semaphore, #tpu.memory_space<semaphore_mem>>)
      %mul3A_425 = arith.constant 3 : i32
      %mul3A_426 = arith.muli %mul3A_425, %add3A_317 : i32
      %add3A_427 = arith.constant 2 : i32
      %add3A_428 = arith.addi %mul3A_426, %add3A_427 : i32
      %dma_wait3A_429 = arith.constant 0 : i32
      %dma_wait3A_430 = tpu.memref_slice %arg5[%dma_wait3A_429] : memref<512xi32, #tpu.memory_space<vmem>> -> memref<8xi32, #tpu.memory_space<vmem>>
      %dma_wait3A_431 = arith.constant 0 : i32
      %dma_wait3A_432 = arith.constant 0 : i32
      %dma_wait3A_433 = tpu.memref_slice %arg3[%dma_wait3A_431, %dma_wait3A_432] : memref<100000x2048xf32, #tpu.memory_space<hbm>> -> memref<100000x2048xf32, #tpu.memory_space<hbm>>
      tpu.wait_indirect_dma semaphore(%arg12 : memref<!tpu.dma_semaphore, #tpu.memory_space<semaphore_mem>>) src(%dma_wait3A_433 : memref<100000x2048xf32, #tpu.memory_space<hbm>>) dst(%arg8 : memref<8x2048xf32, #tpu.memory_space<vmem>>)
      %dma_wait3A_434 = arith.constant 2 : i32
      %dma_wait3A_435 = arith.constant 0 : i32
      %dma_wait3A_436 = tpu.memref_slice %arg4[%mul3A_2, %dma_wait3A_435] : memref<16384x2048xf32, #tpu.memory_space<hbm>> -> memref<8x2048xf32, #tpu.memory_space<hbm>>
      %dma_wait3A_437 = arith.constant 0 : i32
      %dma_wait3A_438 = arith.constant 0 : i32
      %dma_wait3A_439 = tpu.memref_slice %arg9[%arg1, %dma_wait3A_434, %dma_wait3A_437, %dma_wait3A_438] : memref<16x3x8x2048xf32, #tpu.memory_space<vmem_shared>> -> memref<1x1x8x2048xf32, #tpu.memory_space<vmem_shared>>
      %dma_wait3A_440 = tpu.memref_squeeze %dma_wait3A_439 : memref<1x1x8x2048xf32, #tpu.memory_space<vmem_shared>> -> memref<8x2048xf32, #tpu.memory_space<vmem_shared>>
      tpu.wait_dma2 semaphore(%arg18 : memref<!tpu.dma_semaphore, #tpu.memory_space<semaphore_mem>>) src(%dma_wait3A_440 : memref<8x2048xf32, #tpu.memory_space<vmem_shared>>) dst(%dma_wait3A_436 : memref<8x2048xf32, #tpu.memory_space<hbm>>)
      %dma_start3A_441 = arith.constant 2 : i32
      %dma_start3A_442 = arith.constant 0 : i32
      %dma_start3A_443 = arith.constant 0 : i32
      %dma_start3A_444 = tpu.memref_slice %arg9[%arg1, %dma_start3A_441, %dma_start3A_442, %dma_start3A_443] : memref<16x3x8x2048xf32, #tpu.memory_space<vmem_shared>> -> memref<1x1x8x2048xf32, #tpu.memory_space<vmem_shared>>
      %dma_start3A_445 = tpu.memref_squeeze %dma_start3A_444 : memref<1x1x8x2048xf32, #tpu.memory_space<vmem_shared>> -> memref<8x2048xf32, #tpu.memory_space<vmem_shared>>
      %dma_start3A_446 = arith.constant 0 : i32
      %dma_start3A_447 = arith.constant 0 : i32
      %dma_start3A_448 = tpu.memref_slice %arg9[%arg1, %dma_start3A_441, %dma_start3A_446, %dma_start3A_447] : memref<16x3x8x2048xf32, #tpu.memory_space<vmem_shared>> -> memref<1x1x8x2048xf32, #tpu.memory_space<vmem_shared>>
      %dma_start3A_449 = tpu.memref_squeeze %dma_start3A_448 : memref<1x1x8x2048xf32, #tpu.memory_space<vmem_shared>> -> memref<8x2048xf32, #tpu.memory_space<vmem_shared>>
      tpu.enqueue_dma source(%arg8 : memref<8x2048xf32, #tpu.memory_space<vmem>>) target(%dma_start3A_449 : memref<8x2048xf32, #tpu.memory_space<vmem_shared>>) target_semaphore(%arg15 : memref<!tpu.dma_semaphore, #tpu.memory_space<semaphore_mem>>)
      %dma_wait3A_450 = arith.constant 1 : i32
      %dma_wait3A_451 = arith.constant 0 : i32
      %dma_wait3A_452 = arith.constant 0 : i32
      %dma_wait3A_453 = tpu.memref_slice %arg9[%arg1, %dma_wait3A_450, %dma_wait3A_451, %dma_wait3A_452] : memref<16x3x8x2048xf32, #tpu.memory_space<vmem_shared>> -> memref<1x1x8x2048xf32, #tpu.memory_space<vmem_shared>>
      %dma_wait3A_454 = tpu.memref_squeeze %dma_wait3A_453 : memref<1x1x8x2048xf32, #tpu.memory_space<vmem_shared>> -> memref<8x2048xf32, #tpu.memory_space<vmem_shared>>
      %dma_wait3A_455 = arith.constant 0 : i32
      %dma_wait3A_456 = arith.constant 0 : i32
      %dma_wait3A_457 = tpu.memref_slice %arg9[%arg1, %dma_wait3A_450, %dma_wait3A_455, %dma_wait3A_456] : memref<16x3x8x2048xf32, #tpu.memory_space<vmem_shared>> -> memref<1x1x8x2048xf32, #tpu.memory_space<vmem_shared>>
      %dma_wait3A_458 = tpu.memref_squeeze %dma_wait3A_457 : memref<1x1x8x2048xf32, #tpu.memory_space<vmem_shared>> -> memref<8x2048xf32, #tpu.memory_space<vmem_shared>>
      tpu.wait_dma2 semaphore(%arg14 : memref<!tpu.dma_semaphore, #tpu.memory_space<semaphore_mem>>) src(%arg7 : memref<8x2048xf32, #tpu.memory_space<vmem>>) dst(%dma_wait3A_458 : memref<8x2048xf32, #tpu.memory_space<vmem_shared>>)
      %sub3A_459 = arith.constant 1 : i32
      %sub3A_460 = arith.subi %add3A_428, %sub3A_459 : i32
      %mul3A_461 = arith.constant 8 : i32
      %mul3A_462 = arith.muli %sub3A_460, %mul3A_461 : i32
      %add3A_463 = arith.addi %mul3A_2, %mul3A_462 : i32
      %dma_start3A_464 = arith.constant 1 : i32
      %dma_start3A_465 = arith.constant 0 : i32
      %dma_start3A_466 = tpu.memref_slice %arg4[%add3A_463, %dma_start3A_465] : memref<16384x2048xf32, #tpu.memory_space<hbm>> -> memref<8x2048xf32, #tpu.memory_space<hbm>>
      %dma_start3A_467 = arith.constant 0 : i32
      %dma_start3A_468 = arith.constant 0 : i32
      %dma_start3A_469 = tpu.memref_slice %arg9[%arg1, %dma_start3A_464, %dma_start3A_467, %dma_start3A_468] : memref<16x3x8x2048xf32, #tpu.memory_space<vmem_shared>> -> memref<1x1x8x2048xf32, #tpu.memory_space<vmem_shared>>
      %dma_start3A_470 = tpu.memref_squeeze %dma_start3A_469 : memref<1x1x8x2048xf32, #tpu.memory_space<vmem_shared>> -> memref<8x2048xf32, #tpu.memory_space<vmem_shared>>
      tpu.enqueue_dma source(%dma_start3A_470 : memref<8x2048xf32, #tpu.memory_space<vmem_shared>>) target(%dma_start3A_466 : memref<8x2048xf32, #tpu.memory_space<hbm>>) target_semaphore(%arg17 : memref<!tpu.dma_semaphore, #tpu.memory_space<semaphore_mem>>)
      %add3A_471 = arith.constant 2 : i32
      %add3A_472 = arith.addi %add3A_428, %add3A_471 : i32
      %mul3A_473 = arith.constant 8 : i32
      %mul3A_474 = arith.muli %add3A_472, %mul3A_473 : i32
      %dma_start3A_475 = tpu.memref_slice %arg5[%mul3A_474] : memref<512xi32, #tpu.memory_space<vmem>> -> memref<8xi32, #tpu.memory_space<vmem>>
      %dma_start3A_476 = arith.constant 0 : i32
      %dma_start3A_477 = arith.constant 0 : i32
      %dma_start3A_478 = tpu.memref_slice %arg3[%dma_start3A_476, %dma_start3A_477] : memref<100000x2048xf32, #tpu.memory_space<hbm>> -> memref<100000x2048xf32, #tpu.memory_space<hbm>>
      tpu.enqueue_indirect_dma source(%dma_start3A_478 : memref<100000x2048xf32, #tpu.memory_space<hbm>>) target(%arg7 : memref<8x2048xf32, #tpu.memory_space<vmem>>) offsets(%dma_start3A_475 : memref<8xi32, #tpu.memory_space<vmem>>) semaphore(%arg11 : memref<!tpu.dma_semaphore, #tpu.memory_space<semaphore_mem>>)
    }
    %scan3A_107 = arith.constant 19 : i32
    %dma_wait3A_108 = arith.constant 0 : i32
    %dma_wait3A_109 = tpu.memref_slice %arg5[%dma_wait3A_108] : memref<512xi32, #tpu.memory_space<vmem>> -> memref<8xi32, #tpu.memory_space<vmem>>
    %dma_wait3A_110 = arith.constant 0 : i32
    %dma_wait3A_111 = arith.constant 0 : i32
    %dma_wait3A_112 = tpu.memref_slice %arg3[%dma_wait3A_110, %dma_wait3A_111] : memref<100000x2048xf32, #tpu.memory_space<hbm>> -> memref<100000x2048xf32, #tpu.memory_space<hbm>>
    tpu.wait_indirect_dma semaphore(%arg10 : memref<!tpu.dma_semaphore, #tpu.memory_space<semaphore_mem>>) src(%dma_wait3A_112 : memref<100000x2048xf32, #tpu.memory_space<hbm>>) dst(%arg6 : memref<8x2048xf32, #tpu.memory_space<vmem>>)
    %dma_wait3A_113 = arith.constant 0 : i32
    %dma_wait3A_114 = arith.constant 0 : i32
    %dma_wait3A_115 = tpu.memref_slice %arg4[%mul3A_2, %dma_wait3A_114] : memref<16384x2048xf32, #tpu.memory_space<hbm>> -> memref<8x2048xf32, #tpu.memory_space<hbm>>
    %dma_wait3A_116 = arith.constant 0 : i32
    %dma_wait3A_117 = arith.constant 0 : i32
    %dma_wait3A_118 = tpu.memref_slice %arg9[%arg1, %dma_wait3A_113, %dma_wait3A_116, %dma_wait3A_117] : memref<16x3x8x2048xf32, #tpu.memory_space<vmem_shared>> -> memref<1x1x8x2048xf32, #tpu.memory_space<vmem_shared>>
    %dma_wait3A_119 = tpu.memref_squeeze %dma_wait3A_118 : memref<1x1x8x2048xf32, #tpu.memory_space<vmem_shared>> -> memref<8x2048xf32, #tpu.memory_space<vmem_shared>>
    tpu.wait_dma2 semaphore(%arg16 : memref<!tpu.dma_semaphore, #tpu.memory_space<semaphore_mem>>) src(%dma_wait3A_119 : memref<8x2048xf32, #tpu.memory_space<vmem_shared>>) dst(%dma_wait3A_115 : memref<8x2048xf32, #tpu.memory_space<hbm>>)
    %dma_start3A_120 = arith.constant 0 : i32
    %dma_start3A_121 = arith.constant 0 : i32
    %dma_start3A_122 = arith.constant 0 : i32
    %dma_start3A_123 = tpu.memref_slice %arg9[%arg1, %dma_start3A_120, %dma_start3A_121, %dma_start3A_122] : memref<16x3x8x2048xf32, #tpu.memory_space<vmem_shared>> -> memref<1x1x8x2048xf32, #tpu.memory_space<vmem_shared>>
    %dma_start3A_124 = tpu.memref_squeeze %dma_start3A_123 : memref<1x1x8x2048xf32, #tpu.memory_space<vmem_shared>> -> memref<8x2048xf32, #tpu.memory_space<vmem_shared>>
    %dma_start3A_125 = arith.constant 0 : i32
    %dma_start3A_126 = arith.constant 0 : i32
    %dma_start3A_127 = tpu.memref_slice %arg9[%arg1, %dma_start3A_120, %dma_start3A_125, %dma_start3A_126] : memref<16x3x8x2048xf32, #tpu.memory_space<vmem_shared>> -> memref<1x1x8x2048xf32, #tpu.memory_space<vmem_shared>>
    %dma_start3A_128 = tpu.memref_squeeze %dma_start3A_127 : memref<1x1x8x2048xf32, #tpu.memory_space<vmem_shared>> -> memref<8x2048xf32, #tpu.memory_space<vmem_shared>>
    tpu.enqueue_dma source(%arg6 : memref<8x2048xf32, #tpu.memory_space<vmem>>) target(%dma_start3A_128 : memref<8x2048xf32, #tpu.memory_space<vmem_shared>>) target_semaphore(%arg13 : memref<!tpu.dma_semaphore, #tpu.memory_space<semaphore_mem>>)
    %dma_wait3A_129 = arith.constant 2 : i32
    %dma_wait3A_130 = arith.constant 0 : i32
    %dma_wait3A_131 = arith.constant 0 : i32
    %dma_wait3A_132 = tpu.memref_slice %arg9[%arg1, %dma_wait3A_129, %dma_wait3A_130, %dma_wait3A_131] : memref<16x3x8x2048xf32, #tpu.memory_space<vmem_shared>> -> memref<1x1x8x2048xf32, #tpu.memory_space<vmem_shared>>
    %dma_wait3A_133 = tpu.memref_squeeze %dma_wait3A_132 : memref<1x1x8x2048xf32, #tpu.memory_space<vmem_shared>> -> memref<8x2048xf32, #tpu.memory_space<vmem_shared>>
    %dma_wait3A_134 = arith.constant 0 : i32
    %dma_wait3A_135 = arith.constant 0 : i32
    %dma_wait3A_136 = tpu.memref_slice %arg9[%arg1, %dma_wait3A_129, %dma_wait3A_134, %dma_wait3A_135] : memref<16x3x8x2048xf32, #tpu.memory_space<vmem_shared>> -> memref<1x1x8x2048xf32, #tpu.memory_space<vmem_shared>>
    %dma_wait3A_137 = tpu.memref_squeeze %dma_wait3A_136 : memref<1x1x8x2048xf32, #tpu.memory_space<vmem_shared>> -> memref<8x2048xf32, #tpu.memory_space<vmem_shared>>
    tpu.wait_dma2 semaphore(%arg15 : memref<!tpu.dma_semaphore, #tpu.memory_space<semaphore_mem>>) src(%arg8 : memref<8x2048xf32, #tpu.memory_space<vmem>>) dst(%dma_wait3A_137 : memref<8x2048xf32, #tpu.memory_space<vmem_shared>>)
    %add3A_138 = arith.constant 472 : i32
    %add3A_139 = arith.addi %mul3A_2, %add3A_138 : i32
    %dma_start3A_140 = arith.constant 2 : i32
    %dma_start3A_141 = arith.constant 0 : i32
    %dma_start3A_142 = tpu.memref_slice %arg4[%add3A_139, %dma_start3A_141] : memref<16384x2048xf32, #tpu.memory_space<hbm>> -> memref<8x2048xf32, #tpu.memory_space<hbm>>
    %dma_start3A_143 = arith.constant 0 : i32
    %dma_start3A_144 = arith.constant 0 : i32
    %dma_start3A_145 = tpu.memref_slice %arg9[%arg1, %dma_start3A_140, %dma_start3A_143, %dma_start3A_144] : memref<16x3x8x2048xf32, #tpu.memory_space<vmem_shared>> -> memref<1x1x8x2048xf32, #tpu.memory_space<vmem_shared>>
    %dma_start3A_146 = tpu.memref_squeeze %dma_start3A_145 : memref<1x1x8x2048xf32, #tpu.memory_space<vmem_shared>> -> memref<8x2048xf32, #tpu.memory_space<vmem_shared>>
    tpu.enqueue_dma source(%dma_start3A_146 : memref<8x2048xf32, #tpu.memory_space<vmem_shared>>) target(%dma_start3A_142 : memref<8x2048xf32, #tpu.memory_space<hbm>>) target_semaphore(%arg18 : memref<!tpu.dma_semaphore, #tpu.memory_space<semaphore_mem>>)
    %dma_start3A_147 = arith.constant 496 : i32
    %dma_start3A_148 = tpu.memref_slice %arg5[%dma_start3A_147] : memref<512xi32, #tpu.memory_space<vmem>> -> memref<8xi32, #tpu.memory_space<vmem>>
    %dma_start3A_149 = arith.constant 0 : i32
    %dma_start3A_150 = arith.constant 0 : i32
    %dma_start3A_151 = tpu.memref_slice %arg3[%dma_start3A_149, %dma_start3A_150] : memref<100000x2048xf32, #tpu.memory_space<hbm>> -> memref<100000x2048xf32, #tpu.memory_space<hbm>>
    tpu.enqueue_indirect_dma source(%dma_start3A_151 : memref<100000x2048xf32, #tpu.memory_space<hbm>>) target(%arg8 : memref<8x2048xf32, #tpu.memory_space<vmem>>) offsets(%dma_start3A_148 : memref<8xi32, #tpu.memory_space<vmem>>) semaphore(%arg12 : memref<!tpu.dma_semaphore, #tpu.memory_space<semaphore_mem>>)
    %dma_wait3A_152 = arith.constant 0 : i32
    %dma_wait3A_153 = tpu.memref_slice %arg5[%dma_wait3A_152] : memref<512xi32, #tpu.memory_space<vmem>> -> memref<8xi32, #tpu.memory_space<vmem>>
    %dma_wait3A_154 = arith.constant 0 : i32
    %dma_wait3A_155 = arith.constant 0 : i32
    %dma_wait3A_156 = tpu.memref_slice %arg3[%dma_wait3A_154, %dma_wait3A_155] : memref<100000x2048xf32, #tpu.memory_space<hbm>> -> memref<100000x2048xf32, #tpu.memory_space<hbm>>
    tpu.wait_indirect_dma semaphore(%arg11 : memref<!tpu.dma_semaphore, #tpu.memory_space<semaphore_mem>>) src(%dma_wait3A_156 : memref<100000x2048xf32, #tpu.memory_space<hbm>>) dst(%arg7 : memref<8x2048xf32, #tpu.memory_space<vmem>>)
    %dma_wait3A_157 = arith.constant 1 : i32
    %dma_wait3A_158 = arith.constant 0 : i32
    %dma_wait3A_159 = tpu.memref_slice %arg4[%mul3A_2, %dma_wait3A_158] : memref<16384x2048xf32, #tpu.memory_space<hbm>> -> memref<8x2048xf32, #tpu.memory_space<hbm>>
    %dma_wait3A_160 = arith.constant 0 : i32
    %dma_wait3A_161 = arith.constant 0 : i32
    %dma_wait3A_162 = tpu.memref_slice %arg9[%arg1, %dma_wait3A_157, %dma_wait3A_160, %dma_wait3A_161] : memref<16x3x8x2048xf32, #tpu.memory_space<vmem_shared>> -> memref<1x1x8x2048xf32, #tpu.memory_space<vmem_shared>>
    %dma_wait3A_163 = tpu.memref_squeeze %dma_wait3A_162 : memref<1x1x8x2048xf32, #tpu.memory_space<vmem_shared>> -> memref<8x2048xf32, #tpu.memory_space<vmem_shared>>
    tpu.wait_dma2 semaphore(%arg17 : memref<!tpu.dma_semaphore, #tpu.memory_space<semaphore_mem>>) src(%dma_wait3A_163 : memref<8x2048xf32, #tpu.memory_space<vmem_shared>>) dst(%dma_wait3A_159 : memref<8x2048xf32, #tpu.memory_space<hbm>>)
    %dma_start3A_164 = arith.constant 1 : i32
    %dma_start3A_165 = arith.constant 0 : i32
    %dma_start3A_166 = arith.constant 0 : i32
    %dma_start3A_167 = tpu.memref_slice %arg9[%arg1, %dma_start3A_164, %dma_start3A_165, %dma_start3A_166] : memref<16x3x8x2048xf32, #tpu.memory_space<vmem_shared>> -> memref<1x1x8x2048xf32, #tpu.memory_space<vmem_shared>>
    %dma_start3A_168 = tpu.memref_squeeze %dma_start3A_167 : memref<1x1x8x2048xf32, #tpu.memory_space<vmem_shared>> -> memref<8x2048xf32, #tpu.memory_space<vmem_shared>>
    %dma_start3A_169 = arith.constant 0 : i32
    %dma_start3A_170 = arith.constant 0 : i32
    %dma_start3A_171 = tpu.memref_slice %arg9[%arg1, %dma_start3A_164, %dma_start3A_169, %dma_start3A_170] : memref<16x3x8x2048xf32, #tpu.memory_space<vmem_shared>> -> memref<1x1x8x2048xf32, #tpu.memory_space<vmem_shared>>
    %dma_start3A_172 = tpu.memref_squeeze %dma_start3A_171 : memref<1x1x8x2048xf32, #tpu.memory_space<vmem_shared>> -> memref<8x2048xf32, #tpu.memory_space<vmem_shared>>
    tpu.enqueue_dma source(%arg7 : memref<8x2048xf32, #tpu.memory_space<vmem>>) target(%dma_start3A_172 : memref<8x2048xf32, #tpu.memory_space<vmem_shared>>) target_semaphore(%arg14 : memref<!tpu.dma_semaphore, #tpu.memory_space<semaphore_mem>>)
    %dma_wait3A_173 = arith.constant 0 : i32
    %dma_wait3A_174 = arith.constant 0 : i32
    %dma_wait3A_175 = arith.constant 0 : i32
    %dma_wait3A_176 = tpu.memref_slice %arg9[%arg1, %dma_wait3A_173, %dma_wait3A_174, %dma_wait3A_175] : memref<16x3x8x2048xf32, #tpu.memory_space<vmem_shared>> -> memref<1x1x8x2048xf32, #tpu.memory_space<vmem_shared>>
    %dma_wait3A_177 = tpu.memref_squeeze %dma_wait3A_176 : memref<1x1x8x2048xf32, #tpu.memory_space<vmem_shared>> -> memref<8x2048xf32, #tpu.memory_space<vmem_shared>>
    %dma_wait3A_178 = arith.constant 0 : i32
    %dma_wait3A_179 = arith.constant 0 : i32
    %dma_wait3A_180 = tpu.memref_slice %arg9[%arg1, %dma_wait3A_173, %dma_wait3A_178, %dma_wait3A_179] : memref<16x3x8x2048xf32, #tpu.memory_space<vmem_shared>> -> memref<1x1x8x2048xf32, #tpu.memory_space<vmem_shared>>
    %dma_wait3A_181 = tpu.memref_squeeze %dma_wait3A_180 : memref<1x1x8x2048xf32, #tpu.memory_space<vmem_shared>> -> memref<8x2048xf32, #tpu.memory_space<vmem_shared>>
    tpu.wait_dma2 semaphore(%arg13 : memref<!tpu.dma_semaphore, #tpu.memory_space<semaphore_mem>>) src(%arg6 : memref<8x2048xf32, #tpu.memory_space<vmem>>) dst(%dma_wait3A_181 : memref<8x2048xf32, #tpu.memory_space<vmem_shared>>)
    %add3A_182 = arith.constant 480 : i32
    %add3A_183 = arith.addi %mul3A_2, %add3A_182 : i32
    %dma_start3A_184 = arith.constant 0 : i32
    %dma_start3A_185 = arith.constant 0 : i32
    %dma_start3A_186 = tpu.memref_slice %arg4[%add3A_183, %dma_start3A_185] : memref<16384x2048xf32, #tpu.memory_space<hbm>> -> memref<8x2048xf32, #tpu.memory_space<hbm>>
    %dma_start3A_187 = arith.constant 0 : i32
    %dma_start3A_188 = arith.constant 0 : i32
    %dma_start3A_189 = tpu.memref_slice %arg9[%arg1, %dma_start3A_184, %dma_start3A_187, %dma_start3A_188] : memref<16x3x8x2048xf32, #tpu.memory_space<vmem_shared>> -> memref<1x1x8x2048xf32, #tpu.memory_space<vmem_shared>>
    %dma_start3A_190 = tpu.memref_squeeze %dma_start3A_189 : memref<1x1x8x2048xf32, #tpu.memory_space<vmem_shared>> -> memref<8x2048xf32, #tpu.memory_space<vmem_shared>>
    tpu.enqueue_dma source(%dma_start3A_190 : memref<8x2048xf32, #tpu.memory_space<vmem_shared>>) target(%dma_start3A_186 : memref<8x2048xf32, #tpu.memory_space<hbm>>) target_semaphore(%arg16 : memref<!tpu.dma_semaphore, #tpu.memory_space<semaphore_mem>>)
    %dma_start3A_191 = arith.constant 504 : i32
    %dma_start3A_192 = tpu.memref_slice %arg5[%dma_start3A_191] : memref<512xi32, #tpu.memory_space<vmem>> -> memref<8xi32, #tpu.memory_space<vmem>>
    %dma_start3A_193 = arith.constant 0 : i32
    %dma_start3A_194 = arith.constant 0 : i32
    %dma_start3A_195 = tpu.memref_slice %arg3[%dma_start3A_193, %dma_start3A_194] : memref<100000x2048xf32, #tpu.memory_space<hbm>> -> memref<100000x2048xf32, #tpu.memory_space<hbm>>
    tpu.enqueue_indirect_dma source(%dma_start3A_195 : memref<100000x2048xf32, #tpu.memory_space<hbm>>) target(%arg6 : memref<8x2048xf32, #tpu.memory_space<vmem>>) offsets(%dma_start3A_192 : memref<8xi32, #tpu.memory_space<vmem>>) semaphore(%arg10 : memref<!tpu.dma_semaphore, #tpu.memory_space<semaphore_mem>>)
    %dma_wait3A_196 = arith.constant 0 : i32
    %dma_wait3A_197 = tpu.memref_slice %arg5[%dma_wait3A_196] : memref<512xi32, #tpu.memory_space<vmem>> -> memref<8xi32, #tpu.memory_space<vmem>>
    %dma_wait3A_198 = arith.constant 0 : i32
    %dma_wait3A_199 = arith.constant 0 : i32
    %dma_wait3A_200 = tpu.memref_slice %arg3[%dma_wait3A_198, %dma_wait3A_199] : memref<100000x2048xf32, #tpu.memory_space<hbm>> -> memref<100000x2048xf32, #tpu.memory_space<hbm>>
    tpu.wait_indirect_dma semaphore(%arg12 : memref<!tpu.dma_semaphore, #tpu.memory_space<semaphore_mem>>) src(%dma_wait3A_200 : memref<100000x2048xf32, #tpu.memory_space<hbm>>) dst(%arg8 : memref<8x2048xf32, #tpu.memory_space<vmem>>)
    %dma_wait3A_201 = arith.constant 2 : i32
    %dma_wait3A_202 = arith.constant 0 : i32
    %dma_wait3A_203 = tpu.memref_slice %arg4[%mul3A_2, %dma_wait3A_202] : memref<16384x2048xf32, #tpu.memory_space<hbm>> -> memref<8x2048xf32, #tpu.memory_space<hbm>>
    %dma_wait3A_204 = arith.constant 0 : i32
    %dma_wait3A_205 = arith.constant 0 : i32
    %dma_wait3A_206 = tpu.memref_slice %arg9[%arg1, %dma_wait3A_201, %dma_wait3A_204, %dma_wait3A_205] : memref<16x3x8x2048xf32, #tpu.memory_space<vmem_shared>> -> memref<1x1x8x2048xf32, #tpu.memory_space<vmem_shared>>
    %dma_wait3A_207 = tpu.memref_squeeze %dma_wait3A_206 : memref<1x1x8x2048xf32, #tpu.memory_space<vmem_shared>> -> memref<8x2048xf32, #tpu.memory_space<vmem_shared>>
    tpu.wait_dma2 semaphore(%arg18 : memref<!tpu.dma_semaphore, #tpu.memory_space<semaphore_mem>>) src(%dma_wait3A_207 : memref<8x2048xf32, #tpu.memory_space<vmem_shared>>) dst(%dma_wait3A_203 : memref<8x2048xf32, #tpu.memory_space<hbm>>)
    %dma_start3A_208 = arith.constant 2 : i32
    %dma_start3A_209 = arith.constant 0 : i32
    %dma_start3A_210 = arith.constant 0 : i32
    %dma_start3A_211 = tpu.memref_slice %arg9[%arg1, %dma_start3A_208, %dma_start3A_209, %dma_start3A_210] : memref<16x3x8x2048xf32, #tpu.memory_space<vmem_shared>> -> memref<1x1x8x2048xf32, #tpu.memory_space<vmem_shared>>
    %dma_start3A_212 = tpu.memref_squeeze %dma_start3A_211 : memref<1x1x8x2048xf32, #tpu.memory_space<vmem_shared>> -> memref<8x2048xf32, #tpu.memory_space<vmem_shared>>
    %dma_start3A_213 = arith.constant 0 : i32
    %dma_start3A_214 = arith.constant 0 : i32
    %dma_start3A_215 = tpu.memref_slice %arg9[%arg1, %dma_start3A_208, %dma_start3A_213, %dma_start3A_214] : memref<16x3x8x2048xf32, #tpu.memory_space<vmem_shared>> -> memref<1x1x8x2048xf32, #tpu.memory_space<vmem_shared>>
    %dma_start3A_216 = tpu.memref_squeeze %dma_start3A_215 : memref<1x1x8x2048xf32, #tpu.memory_space<vmem_shared>> -> memref<8x2048xf32, #tpu.memory_space<vmem_shared>>
    tpu.enqueue_dma source(%arg8 : memref<8x2048xf32, #tpu.memory_space<vmem>>) target(%dma_start3A_216 : memref<8x2048xf32, #tpu.memory_space<vmem_shared>>) target_semaphore(%arg15 : memref<!tpu.dma_semaphore, #tpu.memory_space<semaphore_mem>>)
    %dma_wait3A_217 = arith.constant 1 : i32
    %dma_wait3A_218 = arith.constant 0 : i32
    %dma_wait3A_219 = arith.constant 0 : i32
    %dma_wait3A_220 = tpu.memref_slice %arg9[%arg1, %dma_wait3A_217, %dma_wait3A_218, %dma_wait3A_219] : memref<16x3x8x2048xf32, #tpu.memory_space<vmem_shared>> -> memref<1x1x8x2048xf32, #tpu.memory_space<vmem_shared>>
    %dma_wait3A_221 = tpu.memref_squeeze %dma_wait3A_220 : memref<1x1x8x2048xf32, #tpu.memory_space<vmem_shared>> -> memref<8x2048xf32, #tpu.memory_space<vmem_shared>>
    %dma_wait3A_222 = arith.constant 0 : i32
    %dma_wait3A_223 = arith.constant 0 : i32
    %dma_wait3A_224 = tpu.memref_slice %arg9[%arg1, %dma_wait3A_217, %dma_wait3A_222, %dma_wait3A_223] : memref<16x3x8x2048xf32, #tpu.memory_space<vmem_shared>> -> memref<1x1x8x2048xf32, #tpu.memory_space<vmem_shared>>
    %dma_wait3A_225 = tpu.memref_squeeze %dma_wait3A_224 : memref<1x1x8x2048xf32, #tpu.memory_space<vmem_shared>> -> memref<8x2048xf32, #tpu.memory_space<vmem_shared>>
    tpu.wait_dma2 semaphore(%arg14 : memref<!tpu.dma_semaphore, #tpu.memory_space<semaphore_mem>>) src(%arg7 : memref<8x2048xf32, #tpu.memory_space<vmem>>) dst(%dma_wait3A_225 : memref<8x2048xf32, #tpu.memory_space<vmem_shared>>)
    %add3A_226 = arith.constant 488 : i32
    %add3A_227 = arith.addi %mul3A_2, %add3A_226 : i32
    %dma_start3A_228 = arith.constant 1 : i32
    %dma_start3A_229 = arith.constant 0 : i32
    %dma_start3A_230 = tpu.memref_slice %arg4[%add3A_227, %dma_start3A_229] : memref<16384x2048xf32, #tpu.memory_space<hbm>> -> memref<8x2048xf32, #tpu.memory_space<hbm>>
    %dma_start3A_231 = arith.constant 0 : i32
    %dma_start3A_232 = arith.constant 0 : i32
    %dma_start3A_233 = tpu.memref_slice %arg9[%arg1, %dma_start3A_228, %dma_start3A_231, %dma_start3A_232] : memref<16x3x8x2048xf32, #tpu.memory_space<vmem_shared>> -> memref<1x1x8x2048xf32, #tpu.memory_space<vmem_shared>>
    %dma_start3A_234 = tpu.memref_squeeze %dma_start3A_233 : memref<1x1x8x2048xf32, #tpu.memory_space<vmem_shared>> -> memref<8x2048xf32, #tpu.memory_space<vmem_shared>>
    tpu.enqueue_dma source(%dma_start3A_234 : memref<8x2048xf32, #tpu.memory_space<vmem_shared>>) target(%dma_start3A_230 : memref<8x2048xf32, #tpu.memory_space<hbm>>) target_semaphore(%arg17 : memref<!tpu.dma_semaphore, #tpu.memory_space<semaphore_mem>>)
    %dma_wait3A_235 = arith.constant 0 : i32
    %dma_wait3A_236 = tpu.memref_slice %arg5[%dma_wait3A_235] : memref<512xi32, #tpu.memory_space<vmem>> -> memref<8xi32, #tpu.memory_space<vmem>>
    %dma_wait3A_237 = arith.constant 0 : i32
    %dma_wait3A_238 = arith.constant 0 : i32
    %dma_wait3A_239 = tpu.memref_slice %arg3[%dma_wait3A_237, %dma_wait3A_238] : memref<100000x2048xf32, #tpu.memory_space<hbm>> -> memref<100000x2048xf32, #tpu.memory_space<hbm>>
    tpu.wait_indirect_dma semaphore(%arg10 : memref<!tpu.dma_semaphore, #tpu.memory_space<semaphore_mem>>) src(%dma_wait3A_239 : memref<100000x2048xf32, #tpu.memory_space<hbm>>) dst(%arg6 : memref<8x2048xf32, #tpu.memory_space<vmem>>)
    %dma_wait3A_240 = arith.constant 0 : i32
    %dma_wait3A_241 = arith.constant 0 : i32
    %dma_wait3A_242 = tpu.memref_slice %arg4[%mul3A_2, %dma_wait3A_241] : memref<16384x2048xf32, #tpu.memory_space<hbm>> -> memref<8x2048xf32, #tpu.memory_space<hbm>>
    %dma_wait3A_243 = arith.constant 0 : i32
    %dma_wait3A_244 = arith.constant 0 : i32
    %dma_wait3A_245 = tpu.memref_slice %arg9[%arg1, %dma_wait3A_240, %dma_wait3A_243, %dma_wait3A_244] : memref<16x3x8x2048xf32, #tpu.memory_space<vmem_shared>> -> memref<1x1x8x2048xf32, #tpu.memory_space<vmem_shared>>
    %dma_wait3A_246 = tpu.memref_squeeze %dma_wait3A_245 : memref<1x1x8x2048xf32, #tpu.memory_space<vmem_shared>> -> memref<8x2048xf32, #tpu.memory_space<vmem_shared>>
    tpu.wait_dma2 semaphore(%arg16 : memref<!tpu.dma_semaphore, #tpu.memory_space<semaphore_mem>>) src(%dma_wait3A_246 : memref<8x2048xf32, #tpu.memory_space<vmem_shared>>) dst(%dma_wait3A_242 : memref<8x2048xf32, #tpu.memory_space<hbm>>)
    %dma_start3A_247 = arith.constant 0 : i32
    %dma_start3A_248 = arith.constant 0 : i32
    %dma_start3A_249 = arith.constant 0 : i32
    %dma_start3A_250 = tpu.memref_slice %arg9[%arg1, %dma_start3A_247, %dma_start3A_248, %dma_start3A_249] : memref<16x3x8x2048xf32, #tpu.memory_space<vmem_shared>> -> memref<1x1x8x2048xf32, #tpu.memory_space<vmem_shared>>
    %dma_start3A_251 = tpu.memref_squeeze %dma_start3A_250 : memref<1x1x8x2048xf32, #tpu.memory_space<vmem_shared>> -> memref<8x2048xf32, #tpu.memory_space<vmem_shared>>
    %dma_start3A_252 = arith.constant 0 : i32
    %dma_start3A_253 = arith.constant 0 : i32
    %dma_start3A_254 = tpu.memref_slice %arg9[%arg1, %dma_start3A_247, %dma_start3A_252, %dma_start3A_253] : memref<16x3x8x2048xf32, #tpu.memory_space<vmem_shared>> -> memref<1x1x8x2048xf32, #tpu.memory_space<vmem_shared>>
    %dma_start3A_255 = tpu.memref_squeeze %dma_start3A_254 : memref<1x1x8x2048xf32, #tpu.memory_space<vmem_shared>> -> memref<8x2048xf32, #tpu.memory_space<vmem_shared>>
    tpu.enqueue_dma source(%arg6 : memref<8x2048xf32, #tpu.memory_space<vmem>>) target(%dma_start3A_255 : memref<8x2048xf32, #tpu.memory_space<vmem_shared>>) target_semaphore(%arg13 : memref<!tpu.dma_semaphore, #tpu.memory_space<semaphore_mem>>)
    %dma_wait3A_256 = arith.constant 2 : i32
    %dma_wait3A_257 = arith.constant 0 : i32
    %dma_wait3A_258 = arith.constant 0 : i32
    %dma_wait3A_259 = tpu.memref_slice %arg9[%arg1, %dma_wait3A_256, %dma_wait3A_257, %dma_wait3A_258] : memref<16x3x8x2048xf32, #tpu.memory_space<vmem_shared>> -> memref<1x1x8x2048xf32, #tpu.memory_space<vmem_shared>>
    %dma_wait3A_260 = tpu.memref_squeeze %dma_wait3A_259 : memref<1x1x8x2048xf32, #tpu.memory_space<vmem_shared>> -> memref<8x2048xf32, #tpu.memory_space<vmem_shared>>
    %dma_wait3A_261 = arith.constant 0 : i32
    %dma_wait3A_262 = arith.constant 0 : i32
    %dma_wait3A_263 = tpu.memref_slice %arg9[%arg1, %dma_wait3A_256, %dma_wait3A_261, %dma_wait3A_262] : memref<16x3x8x2048xf32, #tpu.memory_space<vmem_shared>> -> memref<1x1x8x2048xf32, #tpu.memory_space<vmem_shared>>
    %dma_wait3A_264 = tpu.memref_squeeze %dma_wait3A_263 : memref<1x1x8x2048xf32, #tpu.memory_space<vmem_shared>> -> memref<8x2048xf32, #tpu.memory_space<vmem_shared>>
    tpu.wait_dma2 semaphore(%arg15 : memref<!tpu.dma_semaphore, #tpu.memory_space<semaphore_mem>>) src(%arg8 : memref<8x2048xf32, #tpu.memory_space<vmem>>) dst(%dma_wait3A_264 : memref<8x2048xf32, #tpu.memory_space<vmem_shared>>)
    %add3A_265 = arith.constant 496 : i32
    %add3A_266 = arith.addi %mul3A_2, %add3A_265 : i32
    %dma_start3A_267 = arith.constant 2 : i32
    %dma_start3A_268 = arith.constant 0 : i32
    %dma_start3A_269 = tpu.memref_slice %arg4[%add3A_266, %dma_start3A_268] : memref<16384x2048xf32, #tpu.memory_space<hbm>> -> memref<8x2048xf32, #tpu.memory_space<hbm>>
    %dma_start3A_270 = arith.constant 0 : i32
    %dma_start3A_271 = arith.constant 0 : i32
    %dma_start3A_272 = tpu.memref_slice %arg9[%arg1, %dma_start3A_267, %dma_start3A_270, %dma_start3A_271] : memref<16x3x8x2048xf32, #tpu.memory_space<vmem_shared>> -> memref<1x1x8x2048xf32, #tpu.memory_space<vmem_shared>>
    %dma_start3A_273 = tpu.memref_squeeze %dma_start3A_272 : memref<1x1x8x2048xf32, #tpu.memory_space<vmem_shared>> -> memref<8x2048xf32, #tpu.memory_space<vmem_shared>>
    tpu.enqueue_dma source(%dma_start3A_273 : memref<8x2048xf32, #tpu.memory_space<vmem_shared>>) target(%dma_start3A_269 : memref<8x2048xf32, #tpu.memory_space<hbm>>) target_semaphore(%arg18 : memref<!tpu.dma_semaphore, #tpu.memory_space<semaphore_mem>>)
    %dma_wait3A_274 = arith.constant 0 : i32
    %dma_wait3A_275 = arith.constant 0 : i32
    %dma_wait3A_276 = arith.constant 0 : i32
    %dma_wait3A_277 = tpu.memref_slice %arg9[%arg1, %dma_wait3A_274, %dma_wait3A_275, %dma_wait3A_276] : memref<16x3x8x2048xf32, #tpu.memory_space<vmem_shared>> -> memref<1x1x8x2048xf32, #tpu.memory_space<vmem_shared>>
    %dma_wait3A_278 = tpu.memref_squeeze %dma_wait3A_277 : memref<1x1x8x2048xf32, #tpu.memory_space<vmem_shared>> -> memref<8x2048xf32, #tpu.memory_space<vmem_shared>>
    %dma_wait3A_279 = arith.constant 0 : i32
    %dma_wait3A_280 = arith.constant 0 : i32
    %dma_wait3A_281 = tpu.memref_slice %arg9[%arg1, %dma_wait3A_274, %dma_wait3A_279, %dma_wait3A_280] : memref<16x3x8x2048xf32, #tpu.memory_space<vmem_shared>> -> memref<1x1x8x2048xf32, #tpu.memory_space<vmem_shared>>
    %dma_wait3A_282 = tpu.memref_squeeze %dma_wait3A_281 : memref<1x1x8x2048xf32, #tpu.memory_space<vmem_shared>> -> memref<8x2048xf32, #tpu.memory_space<vmem_shared>>
    tpu.wait_dma2 semaphore(%arg13 : memref<!tpu.dma_semaphore, #tpu.memory_space<semaphore_mem>>) src(%arg6 : memref<8x2048xf32, #tpu.memory_space<vmem>>) dst(%dma_wait3A_282 : memref<8x2048xf32, #tpu.memory_space<vmem_shared>>)
    %add3A_283 = arith.constant 504 : i32
    %add3A_284 = arith.addi %mul3A_2, %add3A_283 : i32
    %dma_start3A_285 = arith.constant 0 : i32
    %dma_start3A_286 = arith.constant 0 : i32
    %dma_start3A_287 = tpu.memref_slice %arg4[%add3A_284, %dma_start3A_286] : memref<16384x2048xf32, #tpu.memory_space<hbm>> -> memref<8x2048xf32, #tpu.memory_space<hbm>>
    %dma_start3A_288 = arith.constant 0 : i32
    %dma_start3A_289 = arith.constant 0 : i32
    %dma_start3A_290 = tpu.memref_slice %arg9[%arg1, %dma_start3A_285, %dma_start3A_288, %dma_start3A_289] : memref<16x3x8x2048xf32, #tpu.memory_space<vmem_shared>> -> memref<1x1x8x2048xf32, #tpu.memory_space<vmem_shared>>
    %dma_start3A_291 = tpu.memref_squeeze %dma_start3A_290 : memref<1x1x8x2048xf32, #tpu.memory_space<vmem_shared>> -> memref<8x2048xf32, #tpu.memory_space<vmem_shared>>
    tpu.enqueue_dma source(%dma_start3A_291 : memref<8x2048xf32, #tpu.memory_space<vmem_shared>>) target(%dma_start3A_287 : memref<8x2048xf32, #tpu.memory_space<hbm>>) target_semaphore(%arg16 : memref<!tpu.dma_semaphore, #tpu.memory_space<semaphore_mem>>)
    %dma_wait3A_292 = arith.constant 1 : i32
    %dma_wait3A_293 = arith.constant 0 : i32
    %dma_wait3A_294 = tpu.memref_slice %arg4[%mul3A_2, %dma_wait3A_293] : memref<16384x2048xf32, #tpu.memory_space<hbm>> -> memref<8x2048xf32, #tpu.memory_space<hbm>>
    %dma_wait3A_295 = arith.constant 0 : i32
    %dma_wait3A_296 = arith.constant 0 : i32
    %dma_wait3A_297 = tpu.memref_slice %arg9[%arg1, %dma_wait3A_292, %dma_wait3A_295, %dma_wait3A_296] : memref<16x3x8x2048xf32, #tpu.memory_space<vmem_shared>> -> memref<1x1x8x2048xf32, #tpu.memory_space<vmem_shared>>
    %dma_wait3A_298 = tpu.memref_squeeze %dma_wait3A_297 : memref<1x1x8x2048xf32, #tpu.memory_space<vmem_shared>> -> memref<8x2048xf32, #tpu.memory_space<vmem_shared>>
    tpu.wait_dma2 semaphore(%arg17 : memref<!tpu.dma_semaphore, #tpu.memory_space<semaphore_mem>>) src(%dma_wait3A_298 : memref<8x2048xf32, #tpu.memory_space<vmem_shared>>) dst(%dma_wait3A_294 : memref<8x2048xf32, #tpu.memory_space<hbm>>)
    %dma_wait3A_299 = arith.constant 2 : i32
    %dma_wait3A_300 = arith.constant 0 : i32
    %dma_wait3A_301 = tpu.memref_slice %arg4[%mul3A_2, %dma_wait3A_300] : memref<16384x2048xf32, #tpu.memory_space<hbm>> -> memref<8x2048xf32, #tpu.memory_space<hbm>>
    %dma_wait3A_302 = arith.constant 0 : i32
    %dma_wait3A_303 = arith.constant 0 : i32
    %dma_wait3A_304 = tpu.memref_slice %arg9[%arg1, %dma_wait3A_299, %dma_wait3A_302, %dma_wait3A_303] : memref<16x3x8x2048xf32, #tpu.memory_space<vmem_shared>> -> memref<1x1x8x2048xf32, #tpu.memory_space<vmem_shared>>
    %dma_wait3A_305 = tpu.memref_squeeze %dma_wait3A_304 : memref<1x1x8x2048xf32, #tpu.memory_space<vmem_shared>> -> memref<8x2048xf32, #tpu.memory_space<vmem_shared>>
    tpu.wait_dma2 semaphore(%arg18 : memref<!tpu.dma_semaphore, #tpu.memory_space<semaphore_mem>>) src(%dma_wait3A_305 : memref<8x2048xf32, #tpu.memory_space<vmem_shared>>) dst(%dma_wait3A_301 : memref<8x2048xf32, #tpu.memory_space<hbm>>)
    %dma_wait3A_306 = arith.constant 0 : i32
    %dma_wait3A_307 = arith.constant 0 : i32
    %dma_wait3A_308 = tpu.memref_slice %arg4[%mul3A_2, %dma_wait3A_307] : memref<16384x2048xf32, #tpu.memory_space<hbm>> -> memref<8x2048xf32, #tpu.memory_space<hbm>>
    %dma_wait3A_309 = arith.constant 0 : i32
    %dma_wait3A_310 = arith.constant 0 : i32
    %dma_wait3A_311 = tpu.memref_slice %arg9[%arg1, %dma_wait3A_306, %dma_wait3A_309, %dma_wait3A_310] : memref<16x3x8x2048xf32, #tpu.memory_space<vmem_shared>> -> memref<1x1x8x2048xf32, #tpu.memory_space<vmem_shared>>
    %dma_wait3A_312 = tpu.memref_squeeze %dma_wait3A_311 : memref<1x1x8x2048xf32, #tpu.memory_space<vmem_shared>> -> memref<8x2048xf32, #tpu.memory_space<vmem_shared>>
    tpu.wait_dma2 semaphore(%arg16 : memref<!tpu.dma_semaphore, #tpu.memory_space<semaphore_mem>>) src(%dma_wait3A_312 : memref<8x2048xf32, #tpu.memory_space<vmem_shared>>) dst(%dma_wait3A_308 : memref<8x2048xf32, #tpu.memory_space<hbm>>)
    return
  }
}

</mosaic_0001>

<sc_bundles>
// kernel: _emb_lookup.3.cloned.1.call-start
scs
__scs_entry_jumppad:
0x0: {  	(pc) =	sbr.rel $0x88, $3  }
0x1: {  	(tag) =	ssettag $0x0;
	lr =	simm.s32 $0x1  }
0x2: {  	[smem:$0x3F9F] =	sst lr;
	_ =	strace $0xD0000000  }
0x3: {  	_ = 	snop  }
0x4: {  	_ = 	snop  }
0x5: {  	_ = 	snop  }
0x6: {  	_ = 	snop  }
0x7: {  	_ = 	snop  }
__scs_overlays_trampoline_lowered:
0x8: {  	[smem:$0x3FAE] =	sst s0  }
0x9: {  	[smem:$0x3FAF] =	sst s1  }
0xa: {  	[smem:$0x3FB0] =	sst s2  }
0xb: {  	[smem:$0x3FB1] =	sst s3  }
0xc: {  	[smem:$0x3FB2] =	sst s4  }
0xd: {  	[smem:$0x3FB3] =	sst s5  }
0xe: {  	[smem:$0x3FB4] =	sst s6  }
0xf: {  	[smem:$0x3FB5] =	sst s7  }
0x10: {  	[smem:$0x3FB6] =	sst s8  }
0x11: {  	[smem:$0x3FB7] =	sst s9;
	s0 =	simm.s32 @!p0 $0x0  }
0x12: {  	s1 =	sld [smem:$0x3F9D];
	s0 =	simm.s32 @p0 $0x1  }
0x13: {  	[smem:$0x3FB8] =	sst s0;
	s0 =	simm.s32 @!p1 $0x0  }
0x14: {  	s2 =	sld [smem:$0x3F9C];
	s0 =	simm.s32 @p1 $0x1  }
0x15: {  	[smem:$0x3FB9] =	sst s0;
	s0 =	simm.s32 @!p2 $0x0  }
0x16: {  	s3 =	sld [smem:$0x3FDB];
	s0 =	simm.s32 @p2 $0x1  }
0x17: {  	s4 =	simm.s32 $0x1BF5;
	[smem:$0x3FBB] =	sst s0  }
0x18: {  	s0 =	sld [smem:$0x3F9E];
	_ =	swait.ge [sflag:s4], $0x0  }
0x19: {  	s7 =	sld [smem:$0x3F9F]  }
0x1a: {  	s8 =	sadd.s32 $0xFFFFE003, lr  }
0x1b: {  	s9 =	sadd.s32 $0xFFFFFEF7, lr;
	s5 =	simm.s32 $0xFFFFFFFF;
	p2 =	slt.u32 s8, $0xFFFFF086  }
0x1c: {  	p1 =	slt.u32 s9, $0xF7A;
	s5 =	simm.s32 @!p2 $0x0  }
0x1d: {  	s5 =	simm.s32 @p1 $0x1;
	p0 =	seq.s32 s7, s2  }
0x1e: {  	s7 =	smul.u32 @!p0 $0xF7A, s2;
	p2 =	seq.s32 @!p0 s5, $0x0  }
0x1f: {  	s9 =	smul.u32 $0xF7A, s1;
	s8 =	simm.s32 @!p0 $0x1BF5;
	p2 =	por !p2, p0  }
0x20: {  	[sflag:s8] =	ssyncset.s32 @!p0 $0xFFFFF086;
	s6 =	sadd.s32 @!p0 s3, s7;
	s7 =	simm.s32 @!p0 $0x108  }
0x21: {  	s3 =	sadd.s32 s3, s9;
	s6 =	sadd.s32 @!p0 $0x88, s6;
	s7 =	simm.s32 @p2 $0x1082  }
0x22: {  	[simem:s7], [sflag:s8] =	dma.local @!p0 [hbm:s6], $0xF7A  }
0x23: {  	s9 =	sor.u32 $0xD0000000, s2;
	s6 =	simm.s32 $0x108;
	_ =	swait.ge @!p0 [sflag:s8], $0x0  }
0x24: {  	s3 =	sadd.s32 $0x88, s3;
	s6 =	simm.s32 @!p1 $0x1082;
	[sflag:s4] =	ssyncset.s32 $0xFFFFF086  }
0x25: {  	[simem:s6], [sflag:s4] =	dma.local [hbm:s3], $0xF7A  }
0x26: {  	[smem:$0x3F9F] =	sst s1;
	(tag) =	ssettag s2;
	_ =	strace s9  }
0x27: {  	s1 =	sld [smem:$0x3FAF]  }
0x28: {  	s2 =	sld [smem:$0x3FB0]  }
0x29: {  	s4 =	sld [smem:$0x3FB2]  }
0x2a: {  	p0 =	seq.s32 s5, $0x0;
	s5 =	sld [smem:$0x3FB3]  }
0x2b: {  	s6 =	sld [smem:$0x3FB4]  }
0x2c: {  	s7 =	sld [smem:$0x3FB5]  }
0x2d: {  	s3 =	simm.s32 $0x108;
	s8 =	sld [smem:$0x3FB6]  }
0x2e: {  	s3 =	simm.s32 @!p0 $0x1082;
	s9 =	sld [smem:$0x3FB7]  }
0x2f: {  	lr =	sadd.s32 s0, s3;
	s0 =	sld [smem:$0x3FAE]  }
0x30: {  	s3 =	sld [smem:$0x3FB1]  }
0x31: {  	[smem:$0x3FBA] =	sst s10  }
0x32: {  	s10 =	sld [smem:$0x3FB8];
	_ =	sdelay $0x3  }
0x33: {  	p0 =	seq.s32 s10, $0x1;
	s10 =	sld [smem:$0x3FBA];
	_ =	sdelay $0x3  }
0x34: {  	[smem:$0x3FBA] =	sst s10  }
0x35: {  	s10 =	sld [smem:$0x3FB9];
	_ =	sdelay $0x3  }
0x36: {  	p1 =	seq.s32 s10, $0x1;
	s10 =	sld [smem:$0x3FBA];
	_ =	sdelay $0x3  }
0x37: {  	[smem:$0x3FBA] =	sst s10  }
0x38: {  	s10 =	sld [smem:$0x3FBB]  }
0x39: {  	_ = 	snop;
	(pc) =	sbr.ind lr, $3  }
0x3a: {  	_ = 	snop  }
0x3b: {  	_ = 	snop  }
0x3c: {  	p2 =	seq.s32 s10, $0x1;
	s10 =	sld [smem:$0x3FBA]  }
0x3d: {  	_ =	shalt  }
0x3e: {  	_ =	shalt  }
0x3f: {  	_ =	shalt  }
0x40: {  	_ =	shalt  }
0x41: {  	_ =	shalt  }
0x42: {  	_ =	shalt  }
0x43: {  	_ =	shalt  }
0x44: {  	_ =	shalt  }
0x45: {  	_ =	shalt  }
0x46: {  	_ =	shalt  }
0x47: {  	_ =	shalt  }
0x48: {  	_ =	shalt  }
0x49: {  	_ =	shalt  }
0x4a: {  	_ =	shalt  }
0x4b: {  	_ =	shalt  }
0x4c: {  	_ =	shalt  }
0x4d: {  	_ =	shalt  }
0x4e: {  	_ =	shalt  }
0x4f: {  	_ =	shalt  }
0x50: {  	_ =	shalt  }
0x51: {  	_ =	shalt  }
0x52: {  	_ =	shalt  }
0x53: {  	_ =	shalt  }
0x54: {  	_ =	shalt  }
0x55: {  	_ =	shalt  }
0x56: {  	_ =	shalt  }
0x57: {  	_ =	shalt  }
0x58: {  	_ =	shalt  }
0x59: {  	_ =	shalt  }
0x5a: {  	_ =	shalt  }
0x5b: {  	_ =	shalt  }
0x5c: {  	_ =	shalt  }
0x5d: {  	_ =	shalt  }
0x5e: {  	_ =	shalt  }
0x5f: {  	_ =	shalt  }
0x60: {  	_ =	shalt  }
0x61: {  	_ =	shalt  }
0x62: {  	_ =	shalt  }
0x63: {  	_ =	shalt  }
0x64: {  	_ =	shalt  }
0x65: {  	_ =	shalt  }
0x66: {  	_ =	shalt  }
0x67: {  	_ =	shalt  }
0x68: {  	_ =	shalt  }
0x69: {  	_ =	shalt  }
0x6a: {  	_ =	shalt  }
0x6b: {  	_ =	shalt  }
0x6c: {  	_ =	shalt  }
0x6d: {  	_ =	shalt  }
0x6e: {  	_ =	shalt  }
0x6f: {  	_ =	shalt  }
0x70: {  	_ =	shalt  }
0x71: {  	_ =	shalt  }
0x72: {  	_ =	shalt  }
0x73: {  	_ =	shalt  }
0x74: {  	_ =	shalt  }
0x75: {  	_ =	shalt  }
0x76: {  	_ =	shalt  }
0x77: {  	_ =	shalt  }
0x78: {  	_ =	shalt  }
0x79: {  	_ =	shalt  }
0x7a: {  	_ =	shalt  }
0x7b: {  	_ =	shalt  }
0x7c: {  	_ =	shalt  }
0x7d: {  	_ =	shalt  }
0x7e: {  	_ =	shalt  }
0x7f: {  	_ =	shalt  }
0x80: {  	_ =	shalt  }
0x81: {  	_ =	shalt  }
0x82: {  	_ =	shalt  }
0x83: {  	_ =	shalt  }
0x84: {  	_ =	shalt  }
0x85: {  	_ =	shalt  }
0x86: {  	_ =	shalt  }
0x87: {  	_ =	shalt  }
.Lfunc_end0:
.L_simem_size_0:
called_computation_lowered:
.L_overlay_start_0:
0x88: {  	s2 =	sld [smem:$0x3FD9]  }
0x89: {  	s3 =	sld [smem:$0x3FFE];
	_ =	sdelay $0x1  }
0x8a: {  	s1 =	srdreg.scid  }
0x8b: {  	s0 =	sand.u32 $0x1, s1  }
0x8c: {  	s18 =	sshll.u32 s0, $0xA;
	s2 =	sadd.s32 s3, s2  }
0x8d: {  	s2 =	sadd.s32 s2, s18  }
0x8e: {  	[smem:$0x3FC6] =	sst s2  }
0x8f: {  	_ = 	snop  }
0x90: {  	s2 =	sld [smem:$0x3FC9]  }
0x91: {  	s19 =	sld [smem:$0x3FC8]  }
0x92: {  	s4 =	sld [smem:$0x3FD0];
	(tm) =	ssettm $0x1  }
0x93: {  	s5 =	sld [smem:$0x3FFB];
	_ =	sdelay $0x3  }
0x94: {  	_ =	strace s5  }
0x95: {  	s5 =	sld [smem:$0x3FFC];
	_ =	sdelay $0x3  }
0x96: {  	_ =	strace s5  }
0x97: {  	s5 =	sld [smem:$0x3FFD];
	_ =	sdelay $0x3  }
0x98: {  	_ =	strace s5  }
0x99: {  	_ =	strace $0x8FFFFFFF  }
0x9a: {  	s20 =	sld [smem:$0x3FDB];
	_ =	sdelay $0x1  }
0x9b: {  	s6 =	simm.s32 $_scs_section_size  }
0x9c: {  	s7 =	simm.s32 $_size__tile_overlayer_lowered;
	s8 =	simm.s32 $_tile_overlayer_lowered  }
0x9d: {  	s23 =	simm.s32 $0x1BFF;
	s22 =	sshll.u32 s8, $0x1;
	s5 =	sadd.s32 s6, s20  }
0x9e: {  	s9 =	simm.s32 $0x0;
	s21 =	sshll.u32 s7, $0x1;
	s7 =	sadd.s32 s22, s5  }
0x9f: {  	[timem:s9], [sflag:s23] =	dma.local [hbm:s7], s21  }
0xa0: {  	_ =	swait.ge [sflag:s23], s21  }
0xa1: {  	s6 =	ssub.s32 $0x0, s21;
	[sflag:s23] =	ssyncset.done $0x0  }
0xa2: {  	[sflag:s23] =	ssyncadd.s32 s6;
	_ =	sdelay $0x1  }
0xa3: {  	s24 =	simm.s32 $0x1B8B  }
0xa4: {  	_ =	swait.ge [sflag:s24], $0x1  }
0xa5: {  	[sflag:s24] =	ssyncset.done $0x0  }
0xa6: {  	s25 =	simm.s32 $0x1B8E;
	[sflag:s24] =	ssyncadd.s32 $0xFFFFFFFF  }
0xa7: {  	s26 =	simm.s32 $execute0_lowered;
	[smem:$0x3FD2] =	sst s25  }
0xa8: {  	s6 =	sshll.u32 s26, $0x1;
	_ =	strace $0x80000046;
	[dreg:$0x1] =	wrdreg $0xFFFFFFFF  }
0xa9: {  	s28 =	simm.s32 $_size_execute0_lowered;
	s5 =	sadd.s32 s5, s6;
	[dreg:$0x0] =	wrdreg $0x0  }
0xaa: {  	s6 =	sshll.u32 s28, $0x1;
	[dreg:$0x2] =	wrdreg s5  }
0xab: {  	[dreg:$0x3] =	wrdreg s6  }
0xac: {  	[dreg:$0x4] =	wrdreg $0xC0  }
0xad: {  	_ =	task [dreg:s9], $0x5FFFF  }
0xae: {  	[dreg:$0x1] =	wrdreg $0xFFFFFFFF  }
0xaf: {  	[dreg:$0x0] =	wrdreg $0x60  }
0xb0: {  	[dreg:$0x2] =	wrdreg s2  }
0xb1: {  	[dreg:$0x3] =	wrdreg s19  }
0xb2: {  	[dreg:$0x4] =	wrdreg s4  }
0xb3: {  	[dreg:$0x5] =	wrdreg $0xC2000  }
0xb4: {  	[dreg:$0x6] =	wrdreg $0x9  }
0xb5: {  	_ =	task.clear_ibuf [dreg:s9], $0x7FFFF;
	_ =	strace $0x90000046  }
0xb6: {  	s29 =	simm.s32 $0x9;
	_ =	strace $0x80000048  }
0xb7: {  	_ =	swait.ge [sflag:s29], $0x1  }
0xb8: {  	[sflag:s29] =	ssyncadd.s32 $0xFFFFFFFF  }
0xb9: {  	_ =	strace $0x90000048  }
0xba: {  	_ =	sfence  }
0xbb: {  	s30 =	sld [smem:$0x0];
	_ =	sdelay $0x2  }
0xbc: {  	s31 =	sshll.u32 s1, $0xD;
	s1 =	sshrl.u32 s1, $0x2  }
0xbd: {  	s3 =	sand.u32 $0x4000, s31;
	s1 =	sadd.s32 s1, s30  }
0xbe: {  	s0 =	sor.u32 s3, s0;
	s1 =	sshll.u32 s1, $0x11  }
0xbf: {  	s0 =	sor.u32 s1, s0  }
0xc0: {  	s0 =	sadd.s32 $0x8F2B, s0  }
0xc1: {  	[sflag:s0] =	ssyncadd.remote.s32 $0x1  }
0xc2: {  	_ =	sfence.sel $0xFFFF  }
0xc3: {  	[dreg:$0x0] =	wrdreg $0xFFFFFFFF;
	(pc) =	sbr.abs _section_cstart, $3  }
0xc4: {  	[dreg:$0x1] =	wrdreg $0xFFFFFFFF  }
0xc5: {  	_ =	task.clear_ibuf [dreg:s9], $0x2FFFF;
	_ =	strace $0x9FFFFFFF  }
0xc6: {  	(tm) =	ssettm $0x7FFFFFFF  }
0xc7: {  	_ =	shalt  }
tec
execute0_lowered:
.L_overlay_start_1:
0x0: {  	(tag) =	ssettag $0x1  }
0x1: {  	s0 =	rddreg [dreg:$0x0]  }
0x2: {  	s1 =	rddreg [dreg:$0x1]  }
0x3: {  	s2 =	rddreg [dreg:$0x2]  }
0x4: {  	s4 =	rddreg [dreg:$0x3]  }
0x5: {  	s3 =	srdreg.scid;
	s14 =	stileid.u32;
	s28 =	simm.s32 $0x4  }
0x6: {  	s29 =	simm.s32 $0x3;
	s30 =	simm.s32 $0x7;
	s31 =	simm.s32 $0x8  }
0x7: {  	s11 =	sand.u32 $0x1, s3;
	s3 =	simm.s32 $0x0;
	s5 =	sshll.u32 s14, $0xA  }
0x8: {  	s17 =	smul.u32 $0x30000, s14;
	s8 =	sadd.s32 $0x400, s1;
	s9 =	sadd.s32 $0x500, s1  }
0x9: {  	s10 =	sadd.s32 $0x600, s1;
	s22 =	sshll.u32 s14, $0x12;
	s6 =	sshll.u32 s11, $0x9  }
0xa: {  	[smem:$0x7FF] =	sst s3;
	s7 =	ssub.s32 $0x2, s11;
	s24 =	sshll.u32 s11, $0x11  }
0xb: {  	s11 =	simm.s32 $0x5A00;
	s12 =	sor.u32 s6, s5;
	_ =	strace $0x80000047  }
0xc: {  	s16 =	sshrl.u32 s7, $0x1;
	s5 =	sadd.s32 $0x100, s1;
	s6 =	sshrl.u32 s12, $0x3  }
0xd: {  	s13 =	ssub.s32 s7, s16;
	s18 =	sshll.u32 s12, $0x8;
	s0 =	sadd.s32 s0, s6  }
0xe: {  	s7 =	sadd.s32 $0x300, s1;
	s16 =	sadd.s32 s2, s18;
	[dreg:$0x6] =	wrdreg s0  }
0xf: {  	s12 =	sadd.s32 $0x700, s1;
	s26 =	smax.u32 s13, $0x1;
	[dreg:$0x9] =	wrdreg s16  }
0x10: {  	s6 =	sadd.s32 $0x200, s1;
	s19 =	sadd.s32 $0x1D800, s16;
	[dreg:$0x10] =	wrdreg s26  }
0x11: {  	s1 =	simm.s32 $0x0;
	s20 =	sadd.s32 $0x1E000, s16;
	[dreg:$0xb] =	wrdreg s19  }
0x12: {  	s0 =	sshrl.u32 s17, $0x2;
	s21 =	sadd.s32 $0x1E800, s16;
	[dreg:$0xc] =	wrdreg s20  }
0x13: {  	s23 =	sadd.s32 $0x1F000, s16;
	s25 =	sadd.s32 $0x1F800, s16;
	[dreg:$0xd] =	wrdreg s21  }
0x14: {  	s26 =	simm.s32 $0x6200;
	s4 =	sadd.s32 s0, s4;
	[dreg:$0xe] =	wrdreg s23  }
0x15: {  	s0 =	sadd.s32 $0x800, s16;
	[dreg:$0xf] =	wrdreg s25;
	s23 =	simm.s32 $0x4A00  }
0x16: {  	s20 =	simm.s32 $0x5;
	s21 =	simm.s32 $0x6;
	[dreg:$0x7] =	wrdreg s4  }
0x17: {  	v0 =	vlaneseq.u32;
	s15 =	sadd.s32 $0x4000, s4;
	[dreg:$0xa] =	wrdreg s0;
	s0 =	sadd.s32 s22, s2  }
0x18: {  	v1 =	vshrl.u32 v0, $0x3;
	[dreg:$0x8] =	wrdreg s15;
	s15 =	sadd.s32 $0x8000, s4;
	s0 =	sadd.s32 s24, s0  }
0x19: {  	vm0 =	vmmov $0xffff;
	v0 =	vand.u32 $0x7, v0;
	v1 =	vmul.u32 $0x8, v1;
	s4 =	simm.s32 $0x5200;
	[dreg:$0x5] =	wrdreg s0;
	s0 =	simm.s32 $0x9  }
.LBB2_1:
0x1a: {  	[dreg:$0x11] =	wrdreg s1  }
0x1b: {  	s2 =	rddreg [dreg:$0x6];
	s16 =	simm.s32 $0xA  }
0x1c: {  	[tilespmem:s3], [sflag:$0xA] =	stream.linear.gather [hbm4b:s2+s3], $0x200, $0x38;
	[tilespmem:$0x18200] =	vst v63  }
0x1d: {  	_ =	swait.ge [sflag:s16], $0x200  }
0x1e: {  	[sflag:s16] =	ssyncset.done $0x0  }
0x1f: {  	[sflag:s16] =	ssyncadd.s32 $0xFFFFFE00  }
0x20: {  	v2 =	vld.msk [tilespmem:$0x0], $0xff;
	_ =	sdelay $0x4  }
0x21: {  	v3 =	vshll.u32 v2, $0x4  }
0x22: {  	v2 =	vand.u32 $0x7, v2;
	v3 =	vand.u32 $0xFFFFFF80, v3  }
0x23: {  	v2 =	vor.u32 v2, v3  }
0x24: {  	v2 =	vperm.xlane v2, v0;
	_ =	sdelay $0x1  }
0x25: {  	v2 =	vadd.s32 v1, v2;
	_ =	sdelay $0x3  }
0x26: {  	s16 =	simm.s32 $0x200;
	s13 =	rddreg [dreg:$0x1]  }
0x27: {  	[tilespmem:s16], [sflag:$0x1] =	stream.indirect_vreg.gather [hbm4b:s13+s3], $0x80, v2, vm0, $0xb8;
	[tilespmem:$0x18200] =	vst v63  }
0x28: {  	s17 =	simm.s32 $0xA00  }
0x29: {  	[tilespmem:s17], [sflag:$0x1] =	stream.indirect_vreg.gather [hbm4b:s5+s3], $0x80, v2, vm0, $0xb8;
	[tilespmem:$0x18200] =	vst v63  }
0x2a: {  	s18 =	simm.s32 $0x1200  }
0x2b: {  	[tilespmem:s18], [sflag:$0x1] =	stream.indirect_vreg.gather [hbm4b:s6+s3], $0x80, v2, vm0, $0xb8;
	[tilespmem:$0x18200] =	vst v63  }
0x2c: {  	s17 =	simm.s32 $0x1A00  }
0x2d: {  	[tilespmem:s17], [sflag:$0x1] =	stream.indirect_vreg.gather [hbm4b:s7+s3], $0x80, v2, vm0, $0xb8;
	[tilespmem:$0x18200] =	vst v63  }
0x2e: {  	s19 =	simm.s32 $0x2200  }
0x2f: {  	[tilespmem:s19], [sflag:$0x1] =	stream.indirect_vreg.gather [hbm4b:s8+s3], $0x80, v2, vm0, $0xb8;
	[tilespmem:$0x18200] =	vst v63  }
0x30: {  	s24 =	simm.s32 $0x2A00  }
0x31: {  	[tilespmem:s24], [sflag:$0x1] =	stream.indirect_vreg.gather [hbm4b:s9+s3], $0x80, v2, vm0, $0xb8;
	[tilespmem:$0x18200] =	vst v63  }
0x32: {  	s25 =	simm.s32 $0x3200  }
0x33: {  	[tilespmem:s25], [sflag:$0x1] =	stream.indirect_vreg.gather [hbm4b:s10+s3], $0x80, v2, vm0, $0xb8;
	[tilespmem:$0x18200] =	vst v63  }
0x34: {  	s22 =	simm.s32 $0x3A00  }
0x35: {  	[tilespmem:s22], [sflag:$0x1] =	stream.indirect_vreg.gather [hbm4b:s12+s3], $0x80, v2, vm0, $0xb8;
	[tilespmem:$0x18200] =	vst v63  }
0x36: {  	v2 =	vld.msk [tilespmem:$0x8], $0xff;
	_ =	sdelay $0x4  }
0x37: {  	v3 =	vshll.u32 v2, $0x4  }
0x38: {  	v2 =	vand.u32 $0x7, v2;
	v3 =	vand.u32 $0xFFFFFF80, v3  }
0x39: {  	v2 =	vor.u32 v2, v3  }
0x3a: {  	v2 =	vperm.xlane v2, v0;
	_ =	sdelay $0x1  }
0x3b: {  	v2 =	vadd.s32 v1, v2;
	_ =	sdelay $0x3  }
0x3c: {  	s18 =	simm.s32 $0x4200  }
0x3d: {  	[tilespmem:s18], [sflag:$0x2] =	stream.indirect_vreg.gather [hbm4b:s13+s3], $0x80, v2, vm0, $0xb8;
	[tilespmem:$0x18200] =	vst v63  }
0x3e: {  	_ = 	snop  }
0x3f: {  	[tilespmem:s23], [sflag:$0x2] =	stream.indirect_vreg.gather [hbm4b:s5+s3], $0x80, v2, vm0, $0xb8;
	[tilespmem:$0x18200] =	vst v63  }
0x40: {  	_ = 	snop  }
0x41: {  	[tilespmem:s4], [sflag:$0x2] =	stream.indirect_vreg.gather [hbm4b:s6+s3], $0x80, v2, vm0, $0xb8;
	[tilespmem:$0x18200] =	vst v63  }
0x42: {  	_ = 	snop  }
0x43: {  	[tilespmem:s11], [sflag:$0x2] =	stream.indirect_vreg.gather [hbm4b:s7+s3], $0x80, v2, vm0, $0xb8;
	[tilespmem:$0x18200] =	vst v63  }
0x44: {  	_ = 	snop  }
0x45: {  	[tilespmem:s26], [sflag:$0x2] =	stream.indirect_vreg.gather [hbm4b:s8+s3], $0x80, v2, vm0, $0xb8;
	[tilespmem:$0x18200] =	vst v63  }
0x46: {  	s2 =	simm.s32 $0x6A00  }
0x47: {  	[tilespmem:s2], [sflag:$0x2] =	stream.indirect_vreg.gather [hbm4b:s9+s3], $0x80, v2, vm0, $0xb8;
	[tilespmem:$0x18200] =	vst v63  }
0x48: {  	s4 =	simm.s32 $0x7200  }
0x49: {  	[tilespmem:s4], [sflag:$0x2] =	stream.indirect_vreg.gather [hbm4b:s10+s3], $0x80, v2, vm0, $0xb8;
	[tilespmem:$0x18200] =	vst v63  }
0x4a: {  	s14 =	simm.s32 $0x1;
	s11 =	simm.s32 $0x7A00  }
0x4b: {  	[tilespmem:s11], [sflag:$0x2] =	stream.indirect_vreg.gather [hbm4b:s12+s3], $0x80, v2, vm0, $0xb8;
	[tilespmem:$0x18200] =	vst v63  }
0x4c: {  	_ =	swait.ge [sflag:s14], $0x4000  }
0x4d: {  	[sflag:s14] =	ssyncset.done $0x0  }
0x4e: {  	s4 =	rddreg [dreg:$0x7];
	[sflag:s14] =	ssyncadd.s32 $0xFFFFC000  }
0x4f: {  	[spmem:s4] =	stream.linear.scatter [tilespmem:s16], [sflag:$0x4], $0x4000, $0x38;
	[tilespmem:$0x18200] =	vst v63  }
0x50: {  	v2 =	vld.msk [tilespmem:$0x10], $0xff;
	_ =	sdelay $0x4  }
0x51: {  	v3 =	vshll.u32 v2, $0x4  }
0x52: {  	v2 =	vand.u32 $0x7, v2;
	v3 =	vand.u32 $0xFFFFFF80, v3  }
0x53: {  	v2 =	vor.u32 v2, v3  }
0x54: {  	v2 =	vperm.xlane v2, v0;
	_ =	sdelay $0x1  }
0x55: {  	v2 =	vadd.s32 v1, v2;
	_ =	sdelay $0x3  }
0x56: {  	s14 =	simm.s32 $0x8200  }
0x57: {  	[tilespmem:s14], [sflag:$0x3] =	stream.indirect_vreg.gather [hbm4b:s13+s3], $0x80, v2, vm0, $0xb8;
	[tilespmem:$0x18200] =	vst v63  }
0x58: {  	s19 =	simm.s32 $0x8A00  }
0x59: {  	[tilespmem:s19], [sflag:$0x3] =	stream.indirect_vreg.gather [hbm4b:s5+s3], $0x80, v2, vm0, $0xb8;
	[tilespmem:$0x18200] =	vst v63  }
0x5a: {  	s22 =	simm.s32 $0x9200  }
0x5b: {  	[tilespmem:s22], [sflag:$0x3] =	stream.indirect_vreg.gather [hbm4b:s6+s3], $0x80, v2, vm0, $0xb8;
	[tilespmem:$0x18200] =	vst v63  }
0x5c: {  	s26 =	simm.s32 $0x9A00  }
0x5d: {  	[tilespmem:s26], [sflag:$0x3] =	stream.indirect_vreg.gather [hbm4b:s7+s3], $0x80, v2, vm0, $0xb8;
	[tilespmem:$0x18200] =	vst v63  }
0x5e: {  	s1 =	simm.s32 $0xA200  }
0x5f: {  	[tilespmem:s1], [sflag:$0x3] =	stream.indirect_vreg.gather [hbm4b:s8+s3], $0x80, v2, vm0, $0xb8;
	[tilespmem:$0x18200] =	vst v63  }
0x60: {  	s11 =	simm.s32 $0xAA00  }
0x61: {  	[tilespmem:s11], [sflag:$0x3] =	stream.indirect_vreg.gather [hbm4b:s9+s3], $0x80, v2, vm0, $0xb8;
	[tilespmem:$0x18200] =	vst v63  }
0x62: {  	s19 =	simm.s32 $0xB200  }
0x63: {  	[tilespmem:s19], [sflag:$0x3] =	stream.indirect_vreg.gather [hbm4b:s10+s3], $0x80, v2, vm0, $0xb8;
	[tilespmem:$0x18200] =	vst v63  }
0x64: {  	s22 =	simm.s32 $0xBA00;
	s26 =	simm.s32 $0x2  }
0x65: {  	[tilespmem:s22], [sflag:$0x3] =	stream.indirect_vreg.gather [hbm4b:s12+s3], $0x80, v2, vm0, $0xb8;
	[tilespmem:$0x18200] =	vst v63  }
0x66: {  	_ =	swait.ge [sflag:s26], $0x4000  }
0x67: {  	[sflag:s26] =	ssyncset.done $0x0  }
0x68: {  	s11 =	rddreg [dreg:$0x8];
	[sflag:s26] =	ssyncadd.s32 $0xFFFFC000  }
0x69: {  	[spmem:s11] =	stream.linear.scatter [tilespmem:s18], [sflag:$0x5], $0x4000, $0x38;
	[tilespmem:$0x18200] =	vst v63  }
0x6a: {  	s1 =	stileid.u32;
	_ =	swait.ge [sflag:s28], $0x4000  }
0x6b: {  	s4 =	sshrl.u32 s4, $0x3;
	s26 =	sshll.u32 s1, $0x6;
	[sflag:s28] =	ssyncset.done $0x0  }
0x6c: {  	s1 =	sor.u32 $0x1C07, s26;
	s2 =	rddreg [dreg:$0x9];
	[sflag:s28] =	ssyncadd.s32 $0xFFFFC000  }
0x6d: {  	[hbm:s2], [sflag:s1] =	dma.local [spmem:s4], $0x800  }
0x6e: {  	v2 =	vld.msk [tilespmem:$0x18], $0xff;
	_ =	sdelay $0x4  }
0x6f: {  	v3 =	vshll.u32 v2, $0x4  }
0x70: {  	v2 =	vand.u32 $0x7, v2;
	v3 =	vand.u32 $0xFFFFFF80, v3  }
0x71: {  	v2 =	vor.u32 v2, v3  }
0x72: {  	v2 =	vperm.xlane v2, v0;
	_ =	sdelay $0x1  }
0x73: {  	v2 =	vadd.s32 v1, v2;
	_ =	sdelay $0x4  }
0x74: {  	[tilespmem:s16], [sflag:$0x1] =	stream.indirect_vreg.gather [hbm4b:s13+s3], $0x80, v2, vm0, $0xb8;
	[tilespmem:$0x18200] =	vst v63  }
0x75: {  	s19 =	smov.u32 s4;
	s4 =	simm.s32 $0xA00  }
0x76: {  	[tilespmem:s4], [sflag:$0x1] =	stream.indirect_vreg.gather [hbm4b:s5+s3], $0x80, v2, vm0, $0xb8;
	[tilespmem:$0x18200] =	vst v63  }
0x77: {  	s16 =	simm.s32 $0x1200  }
0x78: {  	[tilespmem:s16], [sflag:$0x1] =	stream.indirect_vreg.gather [hbm4b:s6+s3], $0x80, v2, vm0, $0xb8;
	[tilespmem:$0x18200] =	vst v63  }
0x79: {  	_ = 	snop  }
0x7a: {  	[tilespmem:s17], [sflag:$0x1] =	stream.indirect_vreg.gather [hbm4b:s7+s3], $0x80, v2, vm0, $0xb8;
	[tilespmem:$0x18200] =	vst v63  }
0x7b: {  	s2 =	simm.s32 $0x2200  }
0x7c: {  	[tilespmem:s2], [sflag:$0x1] =	stream.indirect_vreg.gather [hbm4b:s8+s3], $0x80, v2, vm0, $0xb8;
	[tilespmem:$0x18200] =	vst v63  }
0x7d: {  	_ = 	snop  }
0x7e: {  	[tilespmem:s24], [sflag:$0x1] =	stream.indirect_vreg.gather [hbm4b:s9+s3], $0x80, v2, vm0, $0xb8;
	[tilespmem:$0x18200] =	vst v63  }
0x7f: {  	_ = 	snop  }
0x80: {  	[tilespmem:s25], [sflag:$0x1] =	stream.indirect_vreg.gather [hbm4b:s10+s3], $0x80, v2, vm0, $0xb8;
	[tilespmem:$0x18200] =	vst v63  }
0x81: {  	s4 =	simm.s32 $0x3A00  }
0x82: {  	[tilespmem:s4], [sflag:$0x1] =	stream.indirect_vreg.gather [hbm4b:s12+s3], $0x80, v2, vm0, $0xb8;
	[tilespmem:$0x18200] =	vst v63  }
0x83: {  	_ =	swait.ge [sflag:s29], $0x4000  }
0x84: {  	[sflag:s29] =	ssyncset.done $0x0  }
0x85: {  	[sflag:s29] =	ssyncadd.s32 $0xFFFFC000  }
0x86: {  	[spmem:s15] =	stream.linear.scatter [tilespmem:s14], [sflag:$0x6], $0x4000, $0x38;
	[tilespmem:$0x18200] =	vst v63  }
0x87: {  	_ =	swait.ge [sflag:s20], $0x4000  }
0x88: {  	s16 =	sor.u32 $0x1C08, s26;
	[sflag:s20] =	ssyncset.done $0x0  }
0x89: {  	s17 =	sshrl.u32 s11, $0x3;
	s11 =	rddreg [dreg:$0xa];
	[sflag:s20] =	ssyncadd.s32 $0xFFFFC000  }
0x8a: {  	[hbm:s11], [sflag:s16] =	dma.local [spmem:s17], $0x800  }
0x8b: {  	v2 =	vld.msk [tilespmem:$0x20], $0xff;
	_ =	sdelay $0x4  }
0x8c: {  	v3 =	vshll.u32 v2, $0x4  }
0x8d: {  	v2 =	vand.u32 $0x7, v2;
	v3 =	vand.u32 $0xFFFFFF80, v3  }
0x8e: {  	v2 =	vor.u32 v2, v3  }
0x8f: {  	v2 =	vperm.xlane v2, v0;
	_ =	sdelay $0x1  }
0x90: {  	v2 =	vadd.s32 v1, v2;
	_ =	sdelay $0x4  }
0x91: {  	[tilespmem:s18], [sflag:$0x2] =	stream.indirect_vreg.gather [hbm4b:s13+s3], $0x80, v2, vm0, $0xb8;
	[tilespmem:$0x18200] =	vst v63  }
0x92: {  	_ = 	snop  }
0x93: {  	[tilespmem:s23], [sflag:$0x2] =	stream.indirect_vreg.gather [hbm4b:s5+s3], $0x80, v2, vm0, $0xb8;
	[tilespmem:$0x18200] =	vst v63  }
0x94: {  	s13 =	simm.s32 $0x5200  }
0x95: {  	[tilespmem:s13], [sflag:$0x2] =	stream.indirect_vreg.gather [hbm4b:s6+s3], $0x80, v2, vm0, $0xb8;
	[tilespmem:$0x18200] =	vst v63  }
0x96: {  	s14 =	simm.s32 $0x5A00  }
0x97: {  	[tilespmem:s14], [sflag:$0x2] =	stream.indirect_vreg.gather [hbm4b:s7+s3], $0x80, v2, vm0, $0xb8;
	[tilespmem:$0x18200] =	vst v63  }
0x98: {  	s18 =	simm.s32 $0x6200  }
0x99: {  	[tilespmem:s18], [sflag:$0x2] =	stream.indirect_vreg.gather [hbm4b:s8+s3], $0x80, v2, vm0, $0xb8;
	[tilespmem:$0x18200] =	vst v63  }
0x9a: {  	s23 =	simm.s32 $0x6A00  }
0x9b: {  	[tilespmem:s23], [sflag:$0x2] =	stream.indirect_vreg.gather [hbm4b:s9+s3], $0x80, v2, vm0, $0xb8;
	[tilespmem:$0x18200] =	vst v63  }
0x9c: {  	s22 =	smov.u32 s1;
	s24 =	simm.s32 $0x7200  }
0x9d: {  	[tilespmem:s24], [sflag:$0x2] =	stream.indirect_vreg.gather [hbm4b:s10+s3], $0x80, v2, vm0, $0xb8;
	[tilespmem:$0x18200] =	vst v63  }
0x9e: {  	s25 =	simm.s32 $0x7A00;
	s11 =	simm.s32 $0x0;
	s13 =	simm.s32 $0x38  }
0x9f: {  	[tilespmem:s25], [sflag:$0x2] =	stream.indirect_vreg.gather [hbm4b:s12+s3], $0x80, v2, vm0, $0xb8;
	[tilespmem:$0x18200] =	vst v63  }
.LBB2_2:
0xa0: {  	s1 =	simm.s32 $0x1  }
0xa1: {  	_ =	swait.ge [sflag:s1], $0x4000  }
0xa2: {  	[sflag:s1] =	ssyncset.done $0x0  }
0xa3: {  	[sflag:s1] =	ssyncadd.s32 $0xFFFFC000  }
0xa4: {  	_ =	swait.ge [sflag:s30], $0x800  }
0xa5: {  	[sflag:s30] =	ssyncset.done $0x0  }
0xa6: {  	s14 =	simm.s32 $0x200;
	s2 =	rddreg [dreg:$0x7];
	[sflag:s30] =	ssyncadd.s32 $0xFFFFF800  }
0xa7: {  	[spmem:s2] =	stream.linear.scatter [tilespmem:s14], [sflag:$0x4], $0x4000, $0x38;
	[tilespmem:$0x18200] =	vst v63  }
0xa8: {  	_ =	swait.ge [sflag:s21], $0x4000  }
0xa9: {  	s18 =	rddreg [dreg:$0x5]  }
0xaa: {  	s25 =	sor.u32 $0x1C09, s26;
	[sflag:s21] =	ssyncset.done $0x0;
	s2 =	sadd.s32 s11, s18  }
0xab: {  	[sflag:s21] =	ssyncadd.s32 $0xFFFFC000;
	s18 =	sshrl.u32 s15, $0x3;
	s24 =	sadd.s32 $0x1000, s2  }
0xac: {  	[hbm:s24], [sflag:s25] =	dma.local [spmem:s18], $0x800  }
0xad: {  	v2 =	vld.msk [tilespmem:s13+$0xFFFFFFF0], $0xff;
	_ =	sdelay $0x4  }
0xae: {  	v3 =	vshll.u32 v2, $0x4  }
0xaf: {  	v2 =	vand.u32 $0x7, v2;
	v3 =	vand.u32 $0xFFFFFF80, v3  }
0xb0: {  	v2 =	vor.u32 v2, v3  }
0xb1: {  	v2 =	vperm.xlane v2, v0;
	_ =	sdelay $0x1  }
0xb2: {  	v2 =	vadd.s32 v1, v2;
	_ =	sdelay $0x3  }
0xb3: {  	s4 =	simm.s32 $0x8200;
	s23 =	rddreg [dreg:$0x1]  }
0xb4: {  	[tilespmem:s4], [sflag:$0x3] =	stream.indirect_vreg.gather [hbm4b:s23+s3], $0x80, v2, vm0, $0xb8;
	[tilespmem:$0x18200] =	vst v63  }
0xb5: {  	s24 =	simm.s32 $0x8A00  }
0xb6: {  	[tilespmem:s24], [sflag:$0x3] =	stream.indirect_vreg.gather [hbm4b:s5+s3], $0x80, v2, vm0, $0xb8;
	[tilespmem:$0x18200] =	vst v63  }
0xb7: {  	s24 =	simm.s32 $0x9200  }
0xb8: {  	[tilespmem:s24], [sflag:$0x3] =	stream.indirect_vreg.gather [hbm4b:s6+s3], $0x80, v2, vm0, $0xb8;
	[tilespmem:$0x18200] =	vst v63  }
0xb9: {  	s24 =	simm.s32 $0x9A00  }
0xba: {  	[tilespmem:s24], [sflag:$0x3] =	stream.indirect_vreg.gather [hbm4b:s7+s3], $0x80, v2, vm0, $0xb8;
	[tilespmem:$0x18200] =	vst v63  }
0xbb: {  	s24 =	simm.s32 $0xA200  }
0xbc: {  	[tilespmem:s24], [sflag:$0x3] =	stream.indirect_vreg.gather [hbm4b:s8+s3], $0x80, v2, vm0, $0xb8;
	[tilespmem:$0x18200] =	vst v63  }
0xbd: {  	s24 =	simm.s32 $0xAA00  }
0xbe: {  	[tilespmem:s24], [sflag:$0x3] =	stream.indirect_vreg.gather [hbm4b:s9+s3], $0x80, v2, vm0, $0xb8;
	[tilespmem:$0x18200] =	vst v63  }
0xbf: {  	s24 =	simm.s32 $0xB200  }
0xc0: {  	[tilespmem:s24], [sflag:$0x3] =	stream.indirect_vreg.gather [hbm4b:s10+s3], $0x80, v2, vm0, $0xb8;
	[tilespmem:$0x18200] =	vst v63  }
0xc1: {  	s24 =	simm.s32 $0xBA00  }
0xc2: {  	[tilespmem:s24], [sflag:$0x3] =	stream.indirect_vreg.gather [hbm4b:s12+s3], $0x80, v2, vm0, $0xb8;
	[tilespmem:$0x18200] =	vst v63  }
0xc3: {  	s24 =	simm.s32 $0x2  }
0xc4: {  	_ =	swait.ge [sflag:s24], $0x4000  }
0xc5: {  	[sflag:s24] =	ssyncset.done $0x0  }
0xc6: {  	[sflag:s24] =	ssyncadd.s32 $0xFFFFC000  }
0xc7: {  	_ =	swait.ge [sflag:s31], $0x800  }
0xc8: {  	[sflag:s31] =	ssyncset.done $0x0  }
0xc9: {  	s1 =	simm.s32 $0x4200;
	s24 =	rddreg [dreg:$0x8];
	[sflag:s31] =	ssyncadd.s32 $0xFFFFF800  }
0xca: {  	[spmem:s24] =	stream.linear.scatter [tilespmem:s1], [sflag:$0x5], $0x4000, $0x38;
	[tilespmem:$0x18200] =	vst v63  }
0xcb: {  	_ =	swait.ge [sflag:s28], $0x4000  }
0xcc: {  	[sflag:s28] =	ssyncset.done $0x0  }
0xcd: {  	s24 =	sadd.s32 $0x1800, s2;
	[sflag:s28] =	ssyncadd.s32 $0xFFFFC000  }
0xce: {  	[hbm:s24], [sflag:s22] =	dma.local [spmem:s19], $0x800  }
0xcf: {  	v2 =	vld.msk [tilespmem:s13+$0xFFFFFFF8], $0xff;
	_ =	sdelay $0x4  }
0xd0: {  	v3 =	vshll.u32 v2, $0x4  }
0xd1: {  	v2 =	vand.u32 $0x7, v2;
	v3 =	vand.u32 $0xFFFFFF80, v3  }
0xd2: {  	v2 =	vor.u32 v2, v3  }
0xd3: {  	v2 =	vperm.xlane v2, v0;
	_ =	sdelay $0x1  }
0xd4: {  	v2 =	vadd.s32 v1, v2;
	_ =	sdelay $0x4  }
0xd5: {  	[tilespmem:s14], [sflag:$0x1] =	stream.indirect_vreg.gather [hbm4b:s23+s3], $0x80, v2, vm0, $0xb8;
	[tilespmem:$0x18200] =	vst v63  }
0xd6: {  	s24 =	simm.s32 $0xA00  }
0xd7: {  	[tilespmem:s24], [sflag:$0x1] =	stream.indirect_vreg.gather [hbm4b:s5+s3], $0x80, v2, vm0, $0xb8;
	[tilespmem:$0x18200] =	vst v63  }
0xd8: {  	s24 =	simm.s32 $0x1200  }
0xd9: {  	[tilespmem:s24], [sflag:$0x1] =	stream.indirect_vreg.gather [hbm4b:s6+s3], $0x80, v2, vm0, $0xb8;
	[tilespmem:$0x18200] =	vst v63  }
0xda: {  	s24 =	simm.s32 $0x1A00  }
0xdb: {  	[tilespmem:s24], [sflag:$0x1] =	stream.indirect_vreg.gather [hbm4b:s7+s3], $0x80, v2, vm0, $0xb8;
	[tilespmem:$0x18200] =	vst v63  }
0xdc: {  	s24 =	simm.s32 $0x2200  }
0xdd: {  	[tilespmem:s24], [sflag:$0x1] =	stream.indirect_vreg.gather [hbm4b:s8+s3], $0x80, v2, vm0, $0xb8;
	[tilespmem:$0x18200] =	vst v63  }
0xde: {  	s24 =	simm.s32 $0x2A00  }
0xdf: {  	[tilespmem:s24], [sflag:$0x1] =	stream.indirect_vreg.gather [hbm4b:s9+s3], $0x80, v2, vm0, $0xb8;
	[tilespmem:$0x18200] =	vst v63  }
0xe0: {  	s24 =	simm.s32 $0x3200  }
0xe1: {  	[tilespmem:s24], [sflag:$0x1] =	stream.indirect_vreg.gather [hbm4b:s10+s3], $0x80, v2, vm0, $0xb8;
	[tilespmem:$0x18200] =	vst v63  }
0xe2: {  	s24 =	simm.s32 $0x3A00  }
0xe3: {  	[tilespmem:s24], [sflag:$0x1] =	stream.indirect_vreg.gather [hbm4b:s12+s3], $0x80, v2, vm0, $0xb8;
	[tilespmem:$0x18200] =	vst v63  }
0xe4: {  	_ =	swait.ge [sflag:s29], $0x4000  }
0xe5: {  	[sflag:s29] =	ssyncset.done $0x0  }
0xe6: {  	[sflag:s29] =	ssyncadd.s32 $0xFFFFC000  }
0xe7: {  	_ =	swait.ge [sflag:s0], $0x800  }
0xe8: {  	[sflag:s0] =	ssyncset.done $0x0  }
0xe9: {  	[sflag:s0] =	ssyncadd.s32 $0xFFFFF800  }
0xea: {  	[spmem:s15] =	stream.linear.scatter [tilespmem:s4], [sflag:$0x6], $0x4000, $0x38;
	[tilespmem:$0x18200] =	vst v63  }
0xeb: {  	_ =	swait.ge [sflag:s20], $0x4000  }
0xec: {  	[sflag:s20] =	ssyncset.done $0x0  }
0xed: {  	s2 =	sadd.s32 $0x2000, s2;
	[sflag:s20] =	ssyncadd.s32 $0xFFFFC000  }
0xee: {  	[hbm:s2], [sflag:s16] =	dma.local [spmem:s17], $0x800  }
0xef: {  	v2 =	vld.msk [tilespmem:s13+$0x0], $0xff;
	_ =	sdelay $0x4  }
0xf0: {  	v3 =	vshll.u32 v2, $0x4  }
0xf1: {  	v2 =	vand.u32 $0x7, v2;
	v3 =	vand.u32 $0xFFFFFF80, v3  }
0xf2: {  	v2 =	vor.u32 v2, v3  }
0xf3: {  	v2 =	vperm.xlane v2, v0;
	_ =	sdelay $0x1  }
0xf4: {  	v2 =	vadd.s32 v1, v2;
	_ =	sdelay $0x4  }
0xf5: {  	[tilespmem:s1], [sflag:$0x2] =	stream.indirect_vreg.gather [hbm4b:s23+s3], $0x80, v2, vm0, $0xb8;
	[tilespmem:$0x18200] =	vst v63  }
0xf6: {  	s23 =	simm.s32 $0x4A00  }
0xf7: {  	[tilespmem:s23], [sflag:$0x2] =	stream.indirect_vreg.gather [hbm4b:s5+s3], $0x80, v2, vm0, $0xb8;
	[tilespmem:$0x18200] =	vst v63  }
0xf8: {  	s2 =	simm.s32 $0x5200  }
0xf9: {  	[tilespmem:s2], [sflag:$0x2] =	stream.indirect_vreg.gather [hbm4b:s6+s3], $0x80, v2, vm0, $0xb8;
	[tilespmem:$0x18200] =	vst v63  }
0xfa: {  	s4 =	simm.s32 $0x5A00  }
0xfb: {  	[tilespmem:s4], [sflag:$0x2] =	stream.indirect_vreg.gather [hbm4b:s7+s3], $0x80, v2, vm0, $0xb8;
	[tilespmem:$0x18200] =	vst v63  }
0xfc: {  	s24 =	simm.s32 $0x6200  }
0xfd: {  	[tilespmem:s24], [sflag:$0x2] =	stream.indirect_vreg.gather [hbm4b:s8+s3], $0x80, v2, vm0, $0xb8;
	[tilespmem:$0x18200] =	vst v63  }
0xfe: {  	p0 =	sne.s32 s11, $0x1B000;
	s2 =	simm.s32 $0x6A00  }
0xff: {  	[tilespmem:s2], [sflag:$0x2] =	stream.indirect_vreg.gather [hbm4b:s9+s3], $0x80, v2, vm0, $0xb8;
	[tilespmem:$0x18200] =	vst v63  }
.Ltmp0:
0x100: {  	_ = 	snop;
	(pc) =	sbr.rel @p0 .LBB2_2-.Ltmp0, $4  }
0x101: {  	s11 =	sadd.s32 $0x1800, s11;
	s4 =	simm.s32 $0x7200  }
0x102: {  	[tilespmem:s4], [sflag:$0x2] =	stream.indirect_vreg.gather [hbm4b:s10+s3], $0x80, v2, vm0, $0xb8;
	[tilespmem:$0x18200] =	vst v63  }
0x103: {  	s14 =	simm.s32 $0x4200;
	s13 =	sadd.s32 $0x18, s13;
	s24 =	simm.s32 $0x7A00  }
0x104: {  	[tilespmem:s24], [sflag:$0x2] =	stream.indirect_vreg.gather [hbm4b:s12+s3], $0x80, v2, vm0, $0xb8;
	[tilespmem:$0x18200] =	vst v63  }
0x105: {  	s24 =	simm.s32 $0x1  }
0x106: {  	_ =	swait.ge [sflag:s24], $0x4000  }
0x107: {  	[sflag:s24] =	ssyncset.done $0x0  }
0x108: {  	[sflag:s24] =	ssyncadd.s32 $0xFFFFC000  }
0x109: {  	_ =	swait.ge [sflag:s30], $0x800  }
0x10a: {  	[sflag:s30] =	ssyncset.done $0x0  }
0x10b: {  	s13 =	simm.s32 $0x200;
	s2 =	rddreg [dreg:$0x7];
	[sflag:s30] =	ssyncadd.s32 $0xFFFFF800  }
0x10c: {  	[spmem:s2] =	stream.linear.scatter [tilespmem:s13], [sflag:$0x4], $0x4000, $0x38;
	[tilespmem:$0x18200] =	vst v63  }
0x10d: {  	_ =	swait.ge [sflag:s21], $0x4000  }
0x10e: {  	[sflag:s21] =	ssyncset.done $0x0  }
0x10f: {  	s11 =	rddreg [dreg:$0xb];
	[sflag:s21] =	ssyncadd.s32 $0xFFFFC000  }
0x110: {  	[hbm:s11], [sflag:s25] =	dma.local [spmem:s18], $0x800  }
0x111: {  	v2 =	vld.msk [tilespmem:$0x1F0], $0xff;
	_ =	sdelay $0x4  }
0x112: {  	v3 =	vshll.u32 v2, $0x4  }
0x113: {  	v2 =	vand.u32 $0x7, v2;
	v3 =	vand.u32 $0xFFFFFF80, v3  }
0x114: {  	v2 =	vor.u32 v2, v3  }
0x115: {  	v2 =	vperm.xlane v2, v0;
	_ =	sdelay $0x1  }
0x116: {  	v2 =	vadd.s32 v1, v2;
	_ =	sdelay $0x3  }
0x117: {  	s4 =	simm.s32 $0x8200;
	s1 =	rddreg [dreg:$0x1]  }
0x118: {  	[tilespmem:s4], [sflag:$0x3] =	stream.indirect_vreg.gather [hbm4b:s1+s3], $0x80, v2, vm0, $0xb8;
	[tilespmem:$0x18200] =	vst v63  }
0x119: {  	s26 =	simm.s32 $0x8A00  }
0x11a: {  	[tilespmem:s26], [sflag:$0x3] =	stream.indirect_vreg.gather [hbm4b:s5+s3], $0x80, v2, vm0, $0xb8;
	[tilespmem:$0x18200] =	vst v63  }
0x11b: {  	s26 =	simm.s32 $0x9200  }
0x11c: {  	[tilespmem:s26], [sflag:$0x3] =	stream.indirect_vreg.gather [hbm4b:s6+s3], $0x80, v2, vm0, $0xb8;
	[tilespmem:$0x18200] =	vst v63  }
0x11d: {  	s26 =	simm.s32 $0x9A00  }
0x11e: {  	[tilespmem:s26], [sflag:$0x3] =	stream.indirect_vreg.gather [hbm4b:s7+s3], $0x80, v2, vm0, $0xb8;
	[tilespmem:$0x18200] =	vst v63  }
0x11f: {  	s26 =	simm.s32 $0xA200  }
0x120: {  	[tilespmem:s26], [sflag:$0x3] =	stream.indirect_vreg.gather [hbm4b:s8+s3], $0x80, v2, vm0, $0xb8;
	[tilespmem:$0x18200] =	vst v63  }
0x121: {  	s26 =	simm.s32 $0xAA00  }
0x122: {  	[tilespmem:s26], [sflag:$0x3] =	stream.indirect_vreg.gather [hbm4b:s9+s3], $0x80, v2, vm0, $0xb8;
	[tilespmem:$0x18200] =	vst v63  }
0x123: {  	s26 =	simm.s32 $0xB200  }
0x124: {  	[tilespmem:s26], [sflag:$0x3] =	stream.indirect_vreg.gather [hbm4b:s10+s3], $0x80, v2, vm0, $0xb8;
	[tilespmem:$0x18200] =	vst v63  }
0x125: {  	s26 =	simm.s32 $0xBA00  }
0x126: {  	[tilespmem:s26], [sflag:$0x3] =	stream.indirect_vreg.gather [hbm4b:s12+s3], $0x80, v2, vm0, $0xb8;
	[tilespmem:$0x18200] =	vst v63  }
0x127: {  	s26 =	simm.s32 $0x2  }
0x128: {  	_ =	swait.ge [sflag:s26], $0x4000  }
0x129: {  	[sflag:s26] =	ssyncset.done $0x0  }
0x12a: {  	[sflag:s26] =	ssyncadd.s32 $0xFFFFC000  }
0x12b: {  	_ =	swait.ge [sflag:s31], $0x800  }
0x12c: {  	[sflag:s31] =	ssyncset.done $0x0  }
0x12d: {  	s26 =	rddreg [dreg:$0x8];
	[sflag:s31] =	ssyncadd.s32 $0xFFFFF800  }
0x12e: {  	[spmem:s26] =	stream.linear.scatter [tilespmem:s14], [sflag:$0x5], $0x4000, $0x38;
	[tilespmem:$0x18200] =	vst v63  }
0x12f: {  	_ =	swait.ge [sflag:s28], $0x4000  }
0x130: {  	[sflag:s28] =	ssyncset.done $0x0  }
0x131: {  	s26 =	rddreg [dreg:$0xc];
	[sflag:s28] =	ssyncadd.s32 $0xFFFFC000  }
0x132: {  	[hbm:s26], [sflag:s22] =	dma.local [spmem:s19], $0x800  }
0x133: {  	v2 =	vld.msk [tilespmem:$0x1F8], $0xff;
	_ =	sdelay $0x4  }
0x134: {  	v3 =	vshll.u32 v2, $0x4  }
0x135: {  	v2 =	vand.u32 $0x7, v2;
	v3 =	vand.u32 $0xFFFFFF80, v3  }
0x136: {  	v2 =	vor.u32 v2, v3  }
0x137: {  	v2 =	vperm.xlane v2, v0;
	_ =	sdelay $0x1  }
0x138: {  	v2 =	vadd.s32 v1, v2;
	_ =	sdelay $0x4  }
0x139: {  	[tilespmem:s13], [sflag:$0x1] =	stream.indirect_vreg.gather [hbm4b:s1+s3], $0x80, v2, vm0, $0xb8;
	[tilespmem:$0x18200] =	vst v63  }
0x13a: {  	s1 =	simm.s32 $0xA00  }
0x13b: {  	[tilespmem:s1], [sflag:$0x1] =	stream.indirect_vreg.gather [hbm4b:s5+s3], $0x80, v2, vm0, $0xb8;
	[tilespmem:$0x18200] =	vst v63  }
0x13c: {  	s14 =	simm.s32 $0x1200  }
0x13d: {  	[tilespmem:s14], [sflag:$0x1] =	stream.indirect_vreg.gather [hbm4b:s6+s3], $0x80, v2, vm0, $0xb8;
	[tilespmem:$0x18200] =	vst v63  }
0x13e: {  	s26 =	simm.s32 $0x1A00  }
0x13f: {  	[tilespmem:s26], [sflag:$0x1] =	stream.indirect_vreg.gather [hbm4b:s7+s3], $0x80, v2, vm0, $0xb8;
	[tilespmem:$0x18200] =	vst v63  }
0x140: {  	s1 =	simm.s32 $0x2200  }
0x141: {  	[tilespmem:s1], [sflag:$0x1] =	stream.indirect_vreg.gather [hbm4b:s8+s3], $0x80, v2, vm0, $0xb8;
	[tilespmem:$0x18200] =	vst v63  }
0x142: {  	s14 =	simm.s32 $0x2A00  }
0x143: {  	[tilespmem:s14], [sflag:$0x1] =	stream.indirect_vreg.gather [hbm4b:s9+s3], $0x80, v2, vm0, $0xb8;
	[tilespmem:$0x18200] =	vst v63  }
0x144: {  	s26 =	simm.s32 $0x3200  }
0x145: {  	[tilespmem:s26], [sflag:$0x1] =	stream.indirect_vreg.gather [hbm4b:s10+s3], $0x80, v2, vm0, $0xb8;
	[tilespmem:$0x18200] =	vst v63  }
0x146: {  	s1 =	simm.s32 $0x3A00  }
0x147: {  	[tilespmem:s1], [sflag:$0x1] =	stream.indirect_vreg.gather [hbm4b:s12+s3], $0x80, v2, vm0, $0xb8;
	[tilespmem:$0x18200] =	vst v63  }
0x148: {  	_ =	swait.ge [sflag:s29], $0x4000  }
0x149: {  	[sflag:s29] =	ssyncset.done $0x0  }
0x14a: {  	[sflag:s29] =	ssyncadd.s32 $0xFFFFC000  }
0x14b: {  	_ =	swait.ge [sflag:s0], $0x800  }
0x14c: {  	[sflag:s0] =	ssyncset.done $0x0  }
0x14d: {  	[sflag:s0] =	ssyncadd.s32 $0xFFFFF800  }
0x14e: {  	[spmem:s15] =	stream.linear.scatter [tilespmem:s4], [sflag:$0x6], $0x4000, $0x38;
	[tilespmem:$0x18200] =	vst v63  }
0x14f: {  	_ =	swait.ge [sflag:s20], $0x4000  }
0x150: {  	[sflag:s20] =	ssyncset.done $0x0  }
0x151: {  	s14 =	rddreg [dreg:$0xd];
	[sflag:s20] =	ssyncadd.s32 $0xFFFFC000  }
0x152: {  	[hbm:s14], [sflag:s16] =	dma.local [spmem:s17], $0x800  }
0x153: {  	_ =	swait.ge [sflag:s24], $0x4000  }
0x154: {  	[sflag:s24] =	ssyncset.done $0x0  }
0x155: {  	[sflag:s24] =	ssyncadd.s32 $0xFFFFC000  }
0x156: {  	_ =	swait.ge [sflag:s30], $0x800  }
0x157: {  	[sflag:s30] =	ssyncset.done $0x0  }
0x158: {  	[sflag:s30] =	ssyncadd.s32 $0xFFFFF800  }
0x159: {  	[spmem:s2] =	stream.linear.scatter [tilespmem:s13], [sflag:$0x4], $0x4000, $0x38;
	[tilespmem:$0x18200] =	vst v63  }
0x15a: {  	_ =	swait.ge [sflag:s21], $0x4000  }
0x15b: {  	[sflag:s21] =	ssyncset.done $0x0  }
0x15c: {  	s17 =	rddreg [dreg:$0xe];
	[sflag:s21] =	ssyncadd.s32 $0xFFFFC000  }
0x15d: {  	[hbm:s17], [sflag:s25] =	dma.local [spmem:s18], $0x800  }
0x15e: {  	_ =	swait.ge [sflag:s28], $0x4000  }
0x15f: {  	[sflag:s28] =	ssyncset.done $0x0  }
0x160: {  	s24 =	rddreg [dreg:$0xf];
	[sflag:s28] =	ssyncadd.s32 $0xFFFFC000  }
0x161: {  	[hbm:s24], [sflag:s22] =	dma.local [spmem:s19], $0x800  }
0x162: {  	_ =	swait.ge [sflag:s31], $0x800  }
0x163: {  	[sflag:s31] =	ssyncset.done $0x0  }
0x164: {  	[sflag:s31] =	ssyncadd.s32 $0xFFFFF800  }
0x165: {  	_ =	swait.ge [sflag:s0], $0x800  }
0x166: {  	[sflag:s0] =	ssyncset.done $0x0  }
0x167: {  	[sflag:s0] =	ssyncadd.s32 $0xFFFFF800  }
0x168: {  	_ =	swait.ge [sflag:s30], $0x800  }
0x169: {  	s25 =	rddreg [dreg:$0x11]  }
0x16a: {  	s26 =	rddreg [dreg:$0x10];
	s1 =	sadd.s32 $0x1, s25  }
0x16b: {  	p0 =	sne.s32 s1, s26  }
.Ltmp1:
0x16c: {  	_ = 	snop;
	(pc) =	sbr.rel @p0 .LBB2_1-.Ltmp1, $3  }
0x16d: {  	_ =	sdelay $0x1  }
0x16e: {  	s11 =	simm.s32 $0x5A00;
	[sflag:s30] =	ssyncset.done $0x0  }
0x16f: {  	s4 =	simm.s32 $0x5200;
	[sflag:s30] =	ssyncadd.s32 $0xFFFFF800;
	s26 =	simm.s32 $0x6200  }
0x170: {  	_ =	sfence.sel $0x180000  }
0x171: {  	[bflag:$0x0] =	sbarrier.arrive $0xFFFF  }
0x172: {  	_ =	strace $0x90000047  }
0x173: {  	s0 =	stileid.u32;
	[bflag:$0x2] =	sbarrier.arrive $0xFFFF  }
0x174: {  	p0 =	sne.s32 s0, $0x0;
	s0 =	rddreg [dreg:$0x4]  }
0x175: {  	s0 =	sadd.s32 @!p0 $0x100000, s0  }
0x176: {  	[sflag:s0] =	ssyncadd.tile.s32 @!p0 $0x1;
	_ =	shalt  }
.Lfunc_end2:
_tile_overlayer_lowered:
.L_overlay_start_2:
0x177: {  	(tag) =	ssettag $0x2  }
0x178: {  	s0 =	rddreg [dreg:$0x0];
	s2 =	stileid.u32  }
0x179: {  	s1 =	rddreg [dreg:$0x1];
	p0 =	sne.s32 s2, $0x0  }
0x17a: {  	s3 =	rddreg [dreg:$0x2];
	[bflag:$0x3] =	sbarrier.arrive $0xFFFF;
	s2 =	simm.s32 @!p0 $0x1C0A  }
0x17b: {  	[timem:s3], [sflag:s2] =	dma.local @!p0 [hbm:s0], s1  }
0x17c: {  	s0 =	simm.s32 @!p0 $0xA  }
0x17d: {  	_ =	swait.ge @!p0 [sflag:s0], s1  }
0x17e: {  	s1 =	ssub.s32 @!p0 $0x0, s1;
	[sflag:s0] =	ssyncset.done @!p0 $0x0  }
0x17f: {  	[sflag:s0] =	ssyncadd.s32 @!p0 s1  }
0x180: {  	[bflag:$0x3] =	sbarrier.arrive $0xFFFF  }
0x181: {  	_ =	shalt  }

</sc_bundles>
